<compile_context>
chip_gen: v7x
topology: tpu7x:2x2x1
jax: 0.10.2.dev20260603
libtpu: 0.0.44.dev20260713+nightly
codegen_flags: <defaults>
</compile_context>

<pallas_src>
import functools

import jax
import jax.numpy as jnp
from jax import lax
from jax.experimental import pallas as pl
from jax.experimental.pallas import tpu as pltpu
from jax.experimental.pallas import tpu_sc as plsc

_B = 4096
_L = 50
_N = _B * _L
_NW = 32
_CHUNK = _N // _NW
_NV = _CHUNK // 16
_NPACK = _N // 32
_TBL = 2 * _B

_MARGIN = 0.5
_SCALE_LOSS = 10.0
_TEMP_BASE = 10.0
_SEP_W = 0.5


def _pre_body(lab_ref, pk_ref):
    lo = [lab_ref[128 * w:128 * w + 64, :] << w for w in range(32)]
    hi = [lab_ref[128 * w + 64:128 * (w + 1), :] << w for w in range(32)]
    while len(lo) > 1:
        lo = [lo[i] | lo[i + 1] for i in range(0, len(lo), 2)]
        hi = [hi[i] | hi[i + 1] for i in range(0, len(hi), 2)]
    pk_ref[:, 0:_L] = lo[0]
    pk_ref[:, _L:64] = jnp.zeros((64, 64 - _L), jnp.int32)
    pk_ref[:, 64:64 + _L] = hi[0]
    pk_ref[:, 64 + _L:128] = jnp.zeros((64, 64 - _L), jnp.int32)


def _sc_body(logits_hbm, bidx_hbm, lidx_hbm, packed_hbm,
             tbl_out, part_out,
             x_v, bi_v, li_v, pk_v,
             tbl0, tbl1, tbl2, tbl3,
             part_v,
             sem):
    wid = lax.axis_index("s") * 2 + lax.axis_index("c")
    base = pl.multiple_of(wid * _CHUNK, _CHUNK)

    cx = pltpu.async_copy(logits_hbm.at[pl.ds(base, _CHUNK)], x_v, sem)
    cb = pltpu.async_copy(bidx_hbm.at[pl.ds(base, _CHUNK)], bi_v, sem)
    cl = pltpu.async_copy(lidx_hbm.at[pl.ds(base, _CHUNK)], li_v, sem)
    cp = pltpu.async_copy(packed_hbm, pk_v, sem)

    neg_inf16 = jnp.full((16,), -jnp.inf, dtype=jnp.float32)

    def init_body(i, c):
        off = pl.multiple_of(i * 16, 16)
        tbl0[pl.ds(off, 16)] = neg_inf16
        tbl1[pl.ds(off, 16)] = neg_inf16
        tbl2[pl.ds(off, 16)] = neg_inf16
        tbl3[pl.ds(off, 16)] = neg_inf16
        return c

    with jax.named_scope("sc_init"):
        lax.fori_loop(0, _TBL // 16, init_body, 0)

    with jax.named_scope("sc_dma_wait"):
        cx.wait()
        cb.wait()
        cl.wait()
        cp.wait()

    zero16 = jnp.zeros((16,), dtype=jnp.float32)
    tables = (tbl0, tbl1, tbl2, tbl3)

    def body(i, carry):
        accs = list(carry)
        base_off = pl.multiple_of(i * 64, 64)
        offs = [base_off + q * 16 for q in range(4)]
        bi = [bi_v[pl.ds(o, 16)] for o in offs]
        li = [li_v[pl.ds(o, 16)] for o in offs]
        x = [x_v[pl.ds(o, 16)] for o in offs]
        word = [((bb & 63) << 7) + (bb & 64) + ll - 1
                for bb, ll in zip(bi, li)]
        g = [plsc.load_gather(pk_v, [w]) for w in word]
        sh = [lax.shift_right_logical(bb, 7) for bb in bi]
        tb = [lax.shift_right_logical(gg, ss) & 1 for gg, ss in zip(g, sh)]
        t = [tt.astype(jnp.float32) for tt in tb]
        key = [bb + lax.shift_left(tt, 12) for bb, tt in zip(bi, tb)]
        v = [xx * (1.0 - 2.0 * tt) for xx, tt in zip(x, t)]
        srt = [plsc.sort_key_val(v[q], key[q]) for q in range(4)]
        cur = [plsc.load_gather(tables[q], [srt[q][1]]) for q in range(4)]
        new = [jnp.maximum(cur[q], srt[q][0]) for q in range(4)]
        for q in range(4):
            plsc.store_scatter(tables[q], [srt[q][1]], new[q])
        r = [jnp.maximum(1.0 - vv, 0.0) for vv in v]
        tr = [tt * rr for tt, rr in zip(t, r)]
        xtp = [xx * tt for xx, tt in zip(x, t)]
        for q in range(4):
            xt, cnt, rs, trs = accs[4 * q:4 * q + 4]
            accs[4 * q:4 * q + 4] = (xt + xtp[q], cnt + t[q],
                                     rs + r[q], trs + tr[q])
        return tuple(accs)

    with jax.named_scope("sc_hot"):
        accs = lax.fori_loop(0, _NV // 4, body, (zero16,) * 16)
    xt = accs[0] + accs[4] + accs[8] + accs[12]
    cnt = accs[1] + accs[5] + accs[9] + accs[13]
    rs = accs[2] + accs[6] + accs[10] + accs[14]
    trs = accs[3] + accs[7] + accs[11] + accs[15]

    part_v[pl.ds(0, 16)] = xt
    part_v[pl.ds(16, 16)] = cnt
    part_v[pl.ds(32, 16)] = rs
    part_v[pl.ds(48, 16)] = trs

    pltpu.sync_copy(tbl0, tbl_out.at[wid * 4])
    pltpu.sync_copy(tbl1, tbl_out.at[wid * 4 + 1])
    pltpu.sync_copy(tbl2, tbl_out.at[wid * 4 + 2])
    pltpu.sync_copy(tbl3, tbl_out.at[wid * 4 + 3])
    pltpu.sync_copy(part_v, part_out.at[wid])


_sc_call = functools.partial(
    pl.kernel,
    out_type=(
        jax.ShapeDtypeStruct((4 * _NW, _TBL), jnp.float32),
        jax.ShapeDtypeStruct((_NW, 64), jnp.float32),
    ),
    mesh=plsc.VectorSubcoreMesh(core_axis_name="c", subcore_axis_name="s"),
    compiler_params=pltpu.CompilerParams(needs_layout_passes=False),
    scratch_types=[
        pltpu.VMEM((_CHUNK,), jnp.float32),
        pltpu.VMEM((_CHUNK,), jnp.int32),
        pltpu.VMEM((_CHUNK,), jnp.int32),
        pltpu.VMEM((64 * 128,), jnp.int32),
        pltpu.VMEM((_TBL,), jnp.float32),
        pltpu.VMEM((_TBL,), jnp.float32),
        pltpu.VMEM((_TBL,), jnp.float32),
        pltpu.VMEM((_TBL,), jnp.float32),
        pltpu.VMEM((64,), jnp.float32),
        pltpu.SemaphoreType.DMA,
    ],
)(_sc_body)


def _bce_body(x_ref, out_ref):
    x = x_ref[...]
    out_ref[0, 0] = jnp.sum(jnp.maximum(x, 0.0) + jnp.log1p(jnp.exp(-jnp.abs(x))))


def _fin_body(tbl_ref, part_ref, bce_ref, out_ref):
    tbl = jnp.max(tbl_ref[...], axis=0, keepdims=True)
    max_neg = tbl[:, :_B]
    neg_min_pos = tbl[:, _B:]
    ninf = jnp.float32(-jnp.inf)
    valid = (max_neg > ninf) & (neg_min_pos > ninf)
    samp = jnp.where(valid, jnp.maximum(_MARGIN + max_neg + neg_min_pos, 0.0), 0.0)
    num_valid = jnp.sum(valid.astype(jnp.float32))
    samp_sum = jnp.sum(samp)

    p = part_ref[...]
    s_xt = jnp.sum(p[:, 0:16])
    pos_cnt = jnp.sum(p[:, 16:32])
    rs = jnp.sum(p[:, 32:48])
    trs = jnp.sum(p[:, 48:64])
    pr = trs
    nr = rs - trs

    n_valid = jnp.float32(_N)
    neg_cnt = n_valid - pos_cnt
    bce_loss = (bce_ref[0, 0] - s_xt) / n_valid * _SCALE_LOSS
    avg_valid = n_valid / jnp.maximum(num_valid, 1.0)
    temperature = _TEMP_BASE / jnp.maximum(avg_valid, 1.0)
    contrastive = samp_sum * temperature
    sep = jnp.where(pos_cnt > 0.0, pr / jnp.maximum(pos_cnt, 1.0), 0.0)
    sep = sep + jnp.where(neg_cnt > 0.0, nr / jnp.maximum(neg_cnt, 1.0), 0.0)
    out_ref[0, 0] = bce_loss + contrastive + _SEP_W * sep


def kernel(logits, labels, batch_indices, label_ids):
    pk = pl.pallas_call(
        _pre_body,
        out_shape=jax.ShapeDtypeStruct((64, 128), jnp.int32),
    )(labels)
    x_flat = logits.reshape(-1)

    tbl_all, part_all = _sc_call(x_flat, batch_indices, label_ids,
                                 pk.reshape(-1))

    bce = pl.pallas_call(
        _bce_body,
        out_shape=jax.ShapeDtypeStruct((1, 1), jnp.float32),
        out_specs=pl.BlockSpec(memory_space=pltpu.SMEM),
    )(x_flat)

    out = pl.pallas_call(
        _fin_body,
        out_shape=jax.ShapeDtypeStruct((1, 1), jnp.float32),
        out_specs=pl.BlockSpec(memory_space=pltpu.SMEM),
        in_specs=[
            pl.BlockSpec(),
            pl.BlockSpec(),
            pl.BlockSpec(memory_space=pltpu.SMEM),
        ],
    )(tbl_all, part_all, bce)
    return out.reshape(())

# --- scband reference (transcript-rebuilt; emitter-appended) ---
"""Pipeline reference for scband-gli-znet-loss-19112604467778 (READ-ONLY COPY).

The authoritative reference and input builder live on the scoring server;
editing this copy changes nothing except your own understanding.
"""

import jax, jax.numpy as jnp
import numpy as np

MARGIN = 0.5
SCALE_LOSS = 10.0
CONTRASTIVE_W = 1.0
TEMPERATURE = 1.0
TEMP_SCALE_BASE = 10.0
SEP_W = 0.5
POS_MARGIN = 1.0
NEG_MARGIN = -1.0
B, L = 4096, 50
N = B * L


def setup_inputs(seed: int = 0):
    key = jax.random.key(seed)
    k1, k2, k3, k4 = jax.random.split(key, 4)
    logits = jax.random.normal(k1, (N, 1), dtype=jnp.float32)
    labels = jax.random.randint(k2, (B, L), 0, 2).astype(jnp.int32)
    batch_indices = jax.random.randint(k3, (N,), 0, B).astype(jnp.int32)
    label_ids = jax.random.randint(k4, (N,), 1, L + 1).astype(jnp.int32)
    return {"logits": logits, "labels": labels, "batch_indices": batch_indices, "label_ids": label_ids}


def _bce_with_logits(x, t):
    return jnp.maximum(x, 0.0) - x * t + jnp.log1p(jnp.exp(-jnp.abs(x)))


def reference(logits, labels, batch_indices, label_ids):
    target_indices = label_ids - 1
    targets = labels[batch_indices, target_indices].astype(jnp.float32).reshape(-1, 1)
    valid_mask = (targets != -100.0).reshape(-1)
    n_valid = valid_mask.sum().astype(jnp.float32)
    lf = logits.reshape(-1)
    lab = targets.reshape(-1)
    bce_all = _bce_with_logits(lf, lab)
    bce_loss = (jnp.where(valid_mask, bce_all, 0.0).sum() / n_valid) * SCALE_LOSS
    pos_mask = valid_mask & (lab > 0.5)
    neg_mask = valid_mask & (lab <= 0.5)
    batch_size = labels.shape[0]
    min_pos = jnp.full((batch_size,), jnp.inf, dtype=jnp.float32).at[batch_indices].min(jnp.where(pos_mask, lf, jnp.inf))
    max_neg = jnp.full((batch_size,), -jnp.inf, dtype=jnp.float32).at[batch_indices].max(jnp.where(neg_mask, lf, -jnp.inf))
    valid_samples = (min_pos < jnp.inf) & (max_neg > -jnp.inf)
    sample_losses = jnp.where(valid_samples, jax.nn.relu(MARGIN + max_neg - min_pos), 0.0)
    num_valid = valid_samples.sum()
    avg_valid_labels = n_valid / jnp.maximum(num_valid, 1)
    temperature = TEMPERATURE * (TEMP_SCALE_BASE / jnp.maximum(avg_valid_labels, 1.0))
    contrastive = sample_losses.sum() * temperature * CONTRASTIVE_W
    loss = bce_loss + contrastive
    sep = jnp.float32(0.0)
    pos_cnt = pos_mask.sum()
    neg_cnt = neg_mask.sum()
    pos_term = jnp.where(pos_mask, jax.nn.relu(POS_MARGIN - lf), 0.0).sum() / jnp.maximum(pos_cnt, 1)
    neg_term = jnp.where(neg_mask, jax.nn.relu(lf - NEG_MARGIN), 0.0).sum() / jnp.maximum(neg_cnt, 1)
    sep = sep + jnp.where(pos_cnt > 0, pos_term, 0.0)
    sep = sep + jnp.where(neg_cnt > 0, neg_term, 0.0)
    loss = loss + SEP_W * sep
    return loss

if __name__ == "__main__":
    import jax
    _d = setup_inputs()
    print(jax.jit(kernel)(*tuple(_d.values())))

</pallas_src>

<mosaic_0001>
#map = affine_map<(d0, d1) -> (0)>
#map1 = affine_map<(d0, d1) -> (0, 0)>
module attributes {stable_mosaic.version = 14 : i64} {
  func.func @_sc_body(%arg0: i32, %arg1: i32, %arg2: memref<204800xf32, #tpu.memory_space<hbm>>, %arg3: memref<204800xi32, #tpu.memory_space<hbm>>, %arg4: memref<204800xi32, #tpu.memory_space<hbm>>, %arg5: memref<8192xi32, #tpu.memory_space<hbm>>, %arg6: memref<128x8192xf32, #tpu.memory_space<hbm>>, %arg7: memref<32x64xf32, #tpu.memory_space<hbm>>, %arg8: memref<6400xf32, #tpu.memory_space<vmem>>, %arg9: memref<6400xi32, #tpu.memory_space<vmem>>, %arg10: memref<6400xi32, #tpu.memory_space<vmem>>, %arg11: memref<8192xi32, #tpu.memory_space<vmem>>, %arg12: memref<8192xf32, #tpu.memory_space<vmem>>, %arg13: memref<8192xf32, #tpu.memory_space<vmem>>, %arg14: memref<8192xf32, #tpu.memory_space<vmem>>, %arg15: memref<8192xf32, #tpu.memory_space<vmem>>, %arg16: memref<64xf32, #tpu.memory_space<vmem>>, %arg17: memref<!tpu.dma_semaphore, #tpu.memory_space<semaphore_mem>>) attributes {dimension_semantics = [#tpu.dimension_semantics<core_parallel>, #tpu.dimension_semantics<subcore_parallel>], iteration_bounds = array<i64: 2, 16>, scalar_prefetch = 0 : i64, scratch_operands = 10 : i64, tpu.core_type = #tpu.core_type<sc_vector_subcore>, window_params = [{transform_indices = #map}, {transform_indices = #map}, {transform_indices = #map}, {transform_indices = #map}, {transform_indices = #map1}, {transform_indices = #map1}]} {
    %mul3A = arith.constant 2 : i32
    %mul3A_0 = arith.muli %arg1, %mul3A : i32
    %add3A = arith.addi %mul3A_0, %arg0 : i32
    %mul3A_1 = arith.constant 6400 : i32
    %mul3A_2 = arith.muli %add3A, %mul3A_1 : i32
    %multiple_of3A = tpu.assume_multiple %mul3A_2, 6400 : i32
    %dma_start3A = tpu.memref_slice %arg2[%multiple_of3A] : memref<204800xf32, #tpu.memory_space<hbm>> -> memref<6400xf32, #tpu.memory_space<hbm>>
    %dma_start3A_3 = tpu.memref_slice %arg2[%multiple_of3A] : memref<204800xf32, #tpu.memory_space<hbm>> -> memref<6400xf32, #tpu.memory_space<hbm>>
    tpu.enqueue_dma source(%dma_start3A_3 : memref<6400xf32, #tpu.memory_space<hbm>>) target(%arg8 : memref<6400xf32, #tpu.memory_space<vmem>>) target_semaphore(%arg17 : memref<!tpu.dma_semaphore, #tpu.memory_space<semaphore_mem>>)
    %dma_start3A_4 = tpu.memref_slice %arg3[%multiple_of3A] : memref<204800xi32, #tpu.memory_space<hbm>> -> memref<6400xi32, #tpu.memory_space<hbm>>
    %dma_start3A_5 = tpu.memref_slice %arg3[%multiple_of3A] : memref<204800xi32, #tpu.memory_space<hbm>> -> memref<6400xi32, #tpu.memory_space<hbm>>
    tpu.enqueue_dma source(%dma_start3A_5 : memref<6400xi32, #tpu.memory_space<hbm>>) target(%arg9 : memref<6400xi32, #tpu.memory_space<vmem>>) target_semaphore(%arg17 : memref<!tpu.dma_semaphore, #tpu.memory_space<semaphore_mem>>)
    %dma_start3A_6 = tpu.memref_slice %arg4[%multiple_of3A] : memref<204800xi32, #tpu.memory_space<hbm>> -> memref<6400xi32, #tpu.memory_space<hbm>>
    %dma_start3A_7 = tpu.memref_slice %arg4[%multiple_of3A] : memref<204800xi32, #tpu.memory_space<hbm>> -> memref<6400xi32, #tpu.memory_space<hbm>>
    tpu.enqueue_dma source(%dma_start3A_7 : memref<6400xi32, #tpu.memory_space<hbm>>) target(%arg10 : memref<6400xi32, #tpu.memory_space<vmem>>) target_semaphore(%arg17 : memref<!tpu.dma_semaphore, #tpu.memory_space<semaphore_mem>>)
    tpu.enqueue_dma source(%arg5 : memref<8192xi32, #tpu.memory_space<hbm>>) target(%arg11 : memref<8192xi32, #tpu.memory_space<vmem>>) target_semaphore(%arg17 : memref<!tpu.dma_semaphore, #tpu.memory_space<semaphore_mem>>)
    %broadcast_in_dim3A = arith.constant 0xFF800000 : f32
    %broadcast_in_dim3A_8 = vector.broadcast %broadcast_in_dim3A : f32 to vector<16xf32>
    "tpu.trace_start"() <{level = 10 : i32, message = "sc_init"}> : () -> ()
    %scan3A = arith.constant 0 : i32
    %scan3A_9 = arith.constant 0 : i32
    %scan3A_10 = arith.constant 512 : i32
    %scan3A_11 = arith.addi %scan3A_9, %scan3A_10 : i32
    %scan3A_12 = arith.constant 1 : i32
    scf.for %scan3A_60 = %scan3A_9 to %scan3A_11 step %scan3A_12  : i32 {
      %mul3A_61 = arith.constant 16 : i32
      %mul3A_62 = arith.muli %scan3A_60, %mul3A_61 : i32
      %multiple_of3A_63 = tpu.assume_multiple %mul3A_62, 16 : i32
      %swap3A_64 = arith.index_cast %multiple_of3A_63 : i32 to index
      %swap3A_65 = tpu.vector_load %arg12[%swap3A_64] {strides = array<i32>} : memref<8192xf32, #tpu.memory_space<vmem>>, vector<16xf32>,
      tpu.vector_store %arg12[%swap3A_64], %broadcast_in_dim3A_8 {strides = array<i32>} : memref<8192xf32, #tpu.memory_space<vmem>>, vector<16xf32>,
      %swap3A_66 = arith.index_cast %multiple_of3A_63 : i32 to index
      %swap3A_67 = tpu.vector_load %arg13[%swap3A_66] {strides = array<i32>} : memref<8192xf32, #tpu.memory_space<vmem>>, vector<16xf32>,
      tpu.vector_store %arg13[%swap3A_66], %broadcast_in_dim3A_8 {strides = array<i32>} : memref<8192xf32, #tpu.memory_space<vmem>>, vector<16xf32>,
      %swap3A_68 = arith.index_cast %multiple_of3A_63 : i32 to index
      %swap3A_69 = tpu.vector_load %arg14[%swap3A_68] {strides = array<i32>} : memref<8192xf32, #tpu.memory_space<vmem>>, vector<16xf32>,
      tpu.vector_store %arg14[%swap3A_68], %broadcast_in_dim3A_8 {strides = array<i32>} : memref<8192xf32, #tpu.memory_space<vmem>>, vector<16xf32>,
      %swap3A_70 = arith.index_cast %multiple_of3A_63 : i32 to index
      %swap3A_71 = tpu.vector_load %arg15[%swap3A_70] {strides = array<i32>} : memref<8192xf32, #tpu.memory_space<vmem>>, vector<16xf32>,
      tpu.vector_store %arg15[%swap3A_70], %broadcast_in_dim3A_8 {strides = array<i32>} : memref<8192xf32, #tpu.memory_space<vmem>>, vector<16xf32>,
    }
    %scan3A_13 = arith.constant 512 : i32
    "tpu.trace_stop"() : () -> ()
    "tpu.trace_start"() <{level = 10 : i32, message = "sc_dma_wait"}> : () -> ()
    %dma_wait3A = tpu.memref_slice %arg2[%multiple_of3A] : memref<204800xf32, #tpu.memory_space<hbm>> -> memref<6400xf32, #tpu.memory_space<hbm>>
    %dma_wait3A_14 = tpu.memref_slice %arg2[%multiple_of3A] : memref<204800xf32, #tpu.memory_space<hbm>> -> memref<6400xf32, #tpu.memory_space<hbm>>
    tpu.wait_dma2 semaphore(%arg17 : memref<!tpu.dma_semaphore, #tpu.memory_space<semaphore_mem>>) src(%dma_wait3A_14 : memref<6400xf32, #tpu.memory_space<hbm>>) dst(%arg8 : memref<6400xf32, #tpu.memory_space<vmem>>)
    %dma_wait3A_15 = tpu.memref_slice %arg3[%multiple_of3A] : memref<204800xi32, #tpu.memory_space<hbm>> -> memref<6400xi32, #tpu.memory_space<hbm>>
    %dma_wait3A_16 = tpu.memref_slice %arg3[%multiple_of3A] : memref<204800xi32, #tpu.memory_space<hbm>> -> memref<6400xi32, #tpu.memory_space<hbm>>
    tpu.wait_dma2 semaphore(%arg17 : memref<!tpu.dma_semaphore, #tpu.memory_space<semaphore_mem>>) src(%dma_wait3A_16 : memref<6400xi32, #tpu.memory_space<hbm>>) dst(%arg9 : memref<6400xi32, #tpu.memory_space<vmem>>)
    %dma_wait3A_17 = tpu.memref_slice %arg4[%multiple_of3A] : memref<204800xi32, #tpu.memory_space<hbm>> -> memref<6400xi32, #tpu.memory_space<hbm>>
    %dma_wait3A_18 = tpu.memref_slice %arg4[%multiple_of3A] : memref<204800xi32, #tpu.memory_space<hbm>> -> memref<6400xi32, #tpu.memory_space<hbm>>
    tpu.wait_dma2 semaphore(%arg17 : memref<!tpu.dma_semaphore, #tpu.memory_space<semaphore_mem>>) src(%dma_wait3A_18 : memref<6400xi32, #tpu.memory_space<hbm>>) dst(%arg10 : memref<6400xi32, #tpu.memory_space<vmem>>)
    tpu.wait_dma2 semaphore(%arg17 : memref<!tpu.dma_semaphore, #tpu.memory_space<semaphore_mem>>) src(%arg5 : memref<8192xi32, #tpu.memory_space<hbm>>) dst(%arg11 : memref<8192xi32, #tpu.memory_space<vmem>>)
    %broadcast_in_dim3A_19 = arith.constant 0.000000e+00 : f32
    "tpu.trace_stop"() : () -> ()
    %broadcast_in_dim3A_20 = vector.broadcast %broadcast_in_dim3A_19 : f32 to vector<16xf32>
    "tpu.trace_start"() <{level = 10 : i32, message = "sc_hot"}> : () -> ()
    %scan3A_21 = arith.constant 0 : i32
    %scan3A_22 = arith.constant 100 : i32
    %scan3A_23 = arith.addi %scan3A_21, %scan3A_22 : i32
    %scan3A_24 = arith.constant 1 : i32
    %scan3A_25:16 = scf.for %scan3A_60 = %scan3A_21 to %scan3A_23 step %scan3A_24 iter_args(%scan3A_61 = %broadcast_in_dim3A_20, %scan3A_62 = %broadcast_in_dim3A_20, %scan3A_63 = %broadcast_in_dim3A_20, %scan3A_64 = %broadcast_in_dim3A_20, %scan3A_65 = %broadcast_in_dim3A_20, %scan3A_66 = %broadcast_in_dim3A_20, %scan3A_67 = %broadcast_in_dim3A_20, %scan3A_68 = %broadcast_in_dim3A_20, %scan3A_69 = %broadcast_in_dim3A_20, %scan3A_70 = %broadcast_in_dim3A_20, %scan3A_71 = %broadcast_in_dim3A_20, %scan3A_72 = %broadcast_in_dim3A_20, %scan3A_73 = %broadcast_in_dim3A_20, %scan3A_74 = %broadcast_in_dim3A_20, %scan3A_75 = %broadcast_in_dim3A_20, %scan3A_76 = %broadcast_in_dim3A_20) -> (vector<16xf32>, vector<16xf32>, vector<16xf32>, vector<16xf32>, vector<16xf32>, vector<16xf32>, vector<16xf32>, vector<16xf32>, vector<16xf32>, vector<16xf32>, vector<16xf32>, vector<16xf32>, vector<16xf32>, vector<16xf32>, vector<16xf32>, vector<16xf32>)  : i32 {
      %mul3A_77 = arith.constant 64 : i32
      %mul3A_78 = arith.muli %scan3A_60, %mul3A_77 : i32
      %multiple_of3A_79 = tpu.assume_multiple %mul3A_78, 64 : i32
      %add3A_80 = arith.constant 0 : i32
      %add3A_81 = arith.addi %multiple_of3A_79, %add3A_80 : i32
      %add3A_82 = arith.constant 16 : i32
      %add3A_83 = arith.addi %multiple_of3A_79, %add3A_82 : i32
      %add3A_84 = arith.constant 32 : i32
      %add3A_85 = arith.addi %multiple_of3A_79, %add3A_84 : i32
      %add3A_86 = arith.constant 48 : i32
      %add3A_87 = arith.addi %multiple_of3A_79, %add3A_86 : i32
      %get3A = arith.index_cast %add3A_81 : i32 to index
      %get3A_88 = tpu.vector_load %arg9[%get3A] {strides = array<i32>} : memref<6400xi32, #tpu.memory_space<vmem>>, vector<16xi32>,
      %get3A_89 = arith.index_cast %add3A_83 : i32 to index
      %get3A_90 = tpu.vector_load %arg9[%get3A_89] {strides = array<i32>} : memref<6400xi32, #tpu.memory_space<vmem>>, vector<16xi32>,
      %get3A_91 = arith.index_cast %add3A_85 : i32 to index
      %get3A_92 = tpu.vector_load %arg9[%get3A_91] {strides = array<i32>} : memref<6400xi32, #tpu.memory_space<vmem>>, vector<16xi32>,
      %get3A_93 = arith.index_cast %add3A_87 : i32 to index
      %get3A_94 = tpu.vector_load %arg9[%get3A_93] {strides = array<i32>} : memref<6400xi32, #tpu.memory_space<vmem>>, vector<16xi32>,
      %get3A_95 = arith.index_cast %add3A_81 : i32 to index
      %get3A_96 = tpu.vector_load %arg10[%get3A_95] {strides = array<i32>} : memref<6400xi32, #tpu.memory_space<vmem>>, vector<16xi32>,
      %get3A_97 = arith.index_cast %add3A_83 : i32 to index
      %get3A_98 = tpu.vector_load %arg10[%get3A_97] {strides = array<i32>} : memref<6400xi32, #tpu.memory_space<vmem>>, vector<16xi32>,
      %get3A_99 = arith.index_cast %add3A_85 : i32 to index
      %get3A_100 = tpu.vector_load %arg10[%get3A_99] {strides = array<i32>} : memref<6400xi32, #tpu.memory_space<vmem>>, vector<16xi32>,
      %get3A_101 = arith.index_cast %add3A_87 : i32 to index
      %get3A_102 = tpu.vector_load %arg10[%get3A_101] {strides = array<i32>} : memref<6400xi32, #tpu.memory_space<vmem>>, vector<16xi32>,
      %get3A_103 = arith.index_cast %add3A_81 : i32 to index
      %get3A_104 = tpu.vector_load %arg8[%get3A_103] {strides = array<i32>} : memref<6400xf32, #tpu.memory_space<vmem>>, vector<16xf32>,
      %get3A_105 = arith.index_cast %add3A_83 : i32 to index
      %get3A_106 = tpu.vector_load %arg8[%get3A_105] {strides = array<i32>} : memref<6400xf32, #tpu.memory_space<vmem>>, vector<16xf32>,
      %get3A_107 = arith.index_cast %add3A_85 : i32 to index
      %get3A_108 = tpu.vector_load %arg8[%get3A_107] {strides = array<i32>} : memref<6400xf32, #tpu.memory_space<vmem>>, vector<16xf32>,
      %get3A_109 = arith.index_cast %add3A_87 : i32 to index
      %get3A_110 = tpu.vector_load %arg8[%get3A_109] {strides = array<i32>} : memref<6400xf32, #tpu.memory_space<vmem>>, vector<16xf32>,
      %and3A = arith.constant 63 : i32
      %and3A_111 = vector.broadcast %and3A : i32 to vector<16xi32>
      %and3A_112 = arith.andi %get3A_88, %and3A_111 : vector<16xi32>
      %shift_left3A = arith.constant 7 : i32
      %shift_left3A_113 = vector.broadcast %shift_left3A : i32 to vector<16xi32>
      %shift_left3A_114 = arith.shli %and3A_112, %shift_left3A_113 : vector<16xi32>
      %and3A_115 = arith.constant 64 : i32
      %and3A_116 = vector.broadcast %and3A_115 : i32 to vector<16xi32>
      %and3A_117 = arith.andi %get3A_88, %and3A_116 : vector<16xi32>
      %add3A_118 = arith.addi %shift_left3A_114, %and3A_117 : vector<16xi32>
      %add3A_119 = arith.addi %add3A_118, %get3A_96 : vector<16xi32>
      %sub3A = arith.constant 1 : i32
      %sub3A_120 = vector.broadcast %sub3A : i32 to vector<16xi32>
      %sub3A_121 = arith.subi %add3A_119, %sub3A_120 : vector<16xi32>
      %and3A_122 = arith.constant 63 : i32
      %and3A_123 = vector.broadcast %and3A_122 : i32 to vector<16xi32>
      %and3A_124 = arith.andi %get3A_90, %and3A_123 : vector<16xi32>
      %shift_left3A_125 = arith.constant 7 : i32
      %shift_left3A_126 = vector.broadcast %shift_left3A_125 : i32 to vector<16xi32>
      %shift_left3A_127 = arith.shli %and3A_124, %shift_left3A_126 : vector<16xi32>
      %and3A_128 = arith.constant 64 : i32
      %and3A_129 = vector.broadcast %and3A_128 : i32 to vector<16xi32>
      %and3A_130 = arith.andi %get3A_90, %and3A_129 : vector<16xi32>
      %add3A_131 = arith.addi %shift_left3A_127, %and3A_130 : vector<16xi32>
      %add3A_132 = arith.addi %add3A_131, %get3A_98 : vector<16xi32>
      %sub3A_133 = arith.constant 1 : i32
      %sub3A_134 = vector.broadcast %sub3A_133 : i32 to vector<16xi32>
      %sub3A_135 = arith.subi %add3A_132, %sub3A_134 : vector<16xi32>
      %and3A_136 = arith.constant 63 : i32
      %and3A_137 = vector.broadcast %and3A_136 : i32 to vector<16xi32>
      %and3A_138 = arith.andi %get3A_92, %and3A_137 : vector<16xi32>
      %shift_left3A_139 = arith.constant 7 : i32
      %shift_left3A_140 = vector.broadcast %shift_left3A_139 : i32 to vector<16xi32>
      %shift_left3A_141 = arith.shli %and3A_138, %shift_left3A_140 : vector<16xi32>
      %and3A_142 = arith.constant 64 : i32
      %and3A_143 = vector.broadcast %and3A_142 : i32 to vector<16xi32>
      %and3A_144 = arith.andi %get3A_92, %and3A_143 : vector<16xi32>
      %add3A_145 = arith.addi %shift_left3A_141, %and3A_144 : vector<16xi32>
      %add3A_146 = arith.addi %add3A_145, %get3A_100 : vector<16xi32>
      %sub3A_147 = arith.constant 1 : i32
      %sub3A_148 = vector.broadcast %sub3A_147 : i32 to vector<16xi32>
      %sub3A_149 = arith.subi %add3A_146, %sub3A_148 : vector<16xi32>
      %and3A_150 = arith.constant 63 : i32
      %and3A_151 = vector.broadcast %and3A_150 : i32 to vector<16xi32>
      %and3A_152 = arith.andi %get3A_94, %and3A_151 : vector<16xi32>
      %shift_left3A_153 = arith.constant 7 : i32
      %shift_left3A_154 = vector.broadcast %shift_left3A_153 : i32 to vector<16xi32>
      %shift_left3A_155 = arith.shli %and3A_152, %shift_left3A_154 : vector<16xi32>
      %and3A_156 = arith.constant 64 : i32
      %and3A_157 = vector.broadcast %and3A_156 : i32 to vector<16xi32>
      %and3A_158 = arith.andi %get3A_94, %and3A_157 : vector<16xi32>
      %add3A_159 = arith.addi %shift_left3A_155, %and3A_158 : vector<16xi32>
      %add3A_160 = arith.addi %add3A_159, %get3A_102 : vector<16xi32>
      %sub3A_161 = arith.constant 1 : i32
      %sub3A_162 = vector.broadcast %sub3A_161 : i32 to vector<16xi32>
      %sub3A_163 = arith.subi %add3A_160, %sub3A_162 : vector<16xi32>
      %gather3A = tpu.vector_load_idx %arg11[%sub3A_121] : memref<8192xi32, #tpu.memory_space<vmem>>[vector<16xi32>], vector<16xi32>,
      %gather3A_164 = tpu.vector_load_idx %arg11[%sub3A_135] : memref<8192xi32, #tpu.memory_space<vmem>>[vector<16xi32>], vector<16xi32>,
      %gather3A_165 = tpu.vector_load_idx %arg11[%sub3A_149] : memref<8192xi32, #tpu.memory_space<vmem>>[vector<16xi32>], vector<16xi32>,
      %gather3A_166 = tpu.vector_load_idx %arg11[%sub3A_163] : memref<8192xi32, #tpu.memory_space<vmem>>[vector<16xi32>], vector<16xi32>,
      %shift_right_logical3A = arith.constant 7 : i32
      %shift_right_logical3A_167 = vector.broadcast %shift_right_logical3A : i32 to vector<16xi32>
      %shift_right_logical3A_168 = arith.shrui %get3A_88, %shift_right_logical3A_167 : vector<16xi32>
      %shift_right_logical3A_169 = arith.constant 7 : i32
      %shift_right_logical3A_170 = vector.broadcast %shift_right_logical3A_169 : i32 to vector<16xi32>
      %shift_right_logical3A_171 = arith.shrui %get3A_90, %shift_right_logical3A_170 : vector<16xi32>
      %shift_right_logical3A_172 = arith.constant 7 : i32
      %shift_right_logical3A_173 = vector.broadcast %shift_right_logical3A_172 : i32 to vector<16xi32>
      %shift_right_logical3A_174 = arith.shrui %get3A_92, %shift_right_logical3A_173 : vector<16xi32>
      %shift_right_logical3A_175 = arith.constant 7 : i32
      %shift_right_logical3A_176 = vector.broadcast %shift_right_logical3A_175 : i32 to vector<16xi32>
      %shift_right_logical3A_177 = arith.shrui %get3A_94, %shift_right_logical3A_176 : vector<16xi32>
      %shift_right_logical3A_178 = arith.shrui %gather3A, %shift_right_logical3A_168 : vector<16xi32>
      %and3A_179 = arith.constant 1 : i32
      %and3A_180 = vector.broadcast %and3A_179 : i32 to vector<16xi32>
      %and3A_181 = arith.andi %shift_right_logical3A_178, %and3A_180 : vector<16xi32>
      %shift_right_logical3A_182 = arith.shrui %gather3A_164, %shift_right_logical3A_171 : vector<16xi32>
      %and3A_183 = arith.constant 1 : i32
      %and3A_184 = vector.broadcast %and3A_183 : i32 to vector<16xi32>
      %and3A_185 = arith.andi %shift_right_logical3A_182, %and3A_184 : vector<16xi32>
      %shift_right_logical3A_186 = arith.shrui %gather3A_165, %shift_right_logical3A_174 : vector<16xi32>
      %and3A_187 = arith.constant 1 : i32
      %and3A_188 = vector.broadcast %and3A_187 : i32 to vector<16xi32>
      %and3A_189 = arith.andi %shift_right_logical3A_186, %and3A_188 : vector<16xi32>
      %shift_right_logical3A_190 = arith.shrui %gather3A_166, %shift_right_logical3A_177 : vector<16xi32>
      %and3A_191 = arith.constant 1 : i32
      %and3A_192 = vector.broadcast %and3A_191 : i32 to vector<16xi32>
      %and3A_193 = arith.andi %shift_right_logical3A_190, %and3A_192 : vector<16xi32>
      %convert_element_type3A = arith.sitofp %and3A_181 : vector<16xi32> to vector<16xf32>
      %convert_element_type3A_194 = arith.sitofp %and3A_185 : vector<16xi32> to vector<16xf32>
      %convert_element_type3A_195 = arith.sitofp %and3A_189 : vector<16xi32> to vector<16xf32>
      %convert_element_type3A_196 = arith.sitofp %and3A_193 : vector<16xi32> to vector<16xf32>
      %shift_left3A_197 = arith.constant 12 : i32
      %shift_left3A_198 = vector.broadcast %shift_left3A_197 : i32 to vector<16xi32>
      %shift_left3A_199 = arith.shli %and3A_181, %shift_left3A_198 : vector<16xi32>
      %add3A_200 = arith.addi %get3A_88, %shift_left3A_199 : vector<16xi32>
      %shift_left3A_201 = arith.constant 12 : i32
      %shift_left3A_202 = vector.broadcast %shift_left3A_201 : i32 to vector<16xi32>
      %shift_left3A_203 = arith.shli %and3A_185, %shift_left3A_202 : vector<16xi32>
      %add3A_204 = arith.addi %get3A_90, %shift_left3A_203 : vector<16xi32>
      %shift_left3A_205 = arith.constant 12 : i32
      %shift_left3A_206 = vector.broadcast %shift_left3A_205 : i32 to vector<16xi32>
      %shift_left3A_207 = arith.shli %and3A_189, %shift_left3A_206 : vector<16xi32>
      %add3A_208 = arith.addi %get3A_92, %shift_left3A_207 : vector<16xi32>
      %shift_left3A_209 = arith.constant 12 : i32
      %shift_left3A_210 = vector.broadcast %shift_left3A_209 : i32 to vector<16xi32>
      %shift_left3A_211 = arith.shli %and3A_193, %shift_left3A_210 : vector<16xi32>
      %add3A_212 = arith.addi %get3A_94, %shift_left3A_211 : vector<16xi32>
      %mul3A_213 = arith.constant 2.000000e+00 : f32
      %mul3A_214 = vector.broadcast %mul3A_213 : f32 to vector<16xf32>
      %mul3A_215 = arith.mulf %mul3A_214, %convert_element_type3A : vector<16xf32>
      %sub3A_216 = arith.constant 1.000000e+00 : f32
      %sub3A_217 = vector.broadcast %sub3A_216 : f32 to vector<16xf32>
      %sub3A_218 = arith.subf %sub3A_217, %mul3A_215 : vector<16xf32>
      %mul3A_219 = arith.mulf %get3A_104, %sub3A_218 : vector<16xf32>
      %mul3A_220 = arith.constant 2.000000e+00 : f32
      %mul3A_221 = vector.broadcast %mul3A_220 : f32 to vector<16xf32>
      %mul3A_222 = arith.mulf %mul3A_221, %convert_element_type3A_194 : vector<16xf32>
      %sub3A_223 = arith.constant 1.000000e+00 : f32
      %sub3A_224 = vector.broadcast %sub3A_223 : f32 to vector<16xf32>
      %sub3A_225 = arith.subf %sub3A_224, %mul3A_222 : vector<16xf32>
      %mul3A_226 = arith.mulf %get3A_106, %sub3A_225 : vector<16xf32>
      %mul3A_227 = arith.constant 2.000000e+00 : f32
      %mul3A_228 = vector.broadcast %mul3A_227 : f32 to vector<16xf32>
      %mul3A_229 = arith.mulf %mul3A_228, %convert_element_type3A_195 : vector<16xf32>
      %sub3A_230 = arith.constant 1.000000e+00 : f32
      %sub3A_231 = vector.broadcast %sub3A_230 : f32 to vector<16xf32>
      %sub3A_232 = arith.subf %sub3A_231, %mul3A_229 : vector<16xf32>
      %mul3A_233 = arith.mulf %get3A_108, %sub3A_232 : vector<16xf32>
      %mul3A_234 = arith.constant 2.000000e+00 : f32
      %mul3A_235 = vector.broadcast %mul3A_234 : f32 to vector<16xf32>
      %mul3A_236 = arith.mulf %mul3A_235, %convert_element_type3A_196 : vector<16xf32>
      %sub3A_237 = arith.constant 1.000000e+00 : f32
      %sub3A_238 = vector.broadcast %sub3A_237 : f32 to vector<16xf32>
      %sub3A_239 = arith.subf %sub3A_238, %mul3A_236 : vector<16xf32>
      %mul3A_240 = arith.mulf %get3A_110, %sub3A_239 : vector<16xf32>
      %masked_sort3A = arith.constant dense<true> : vector<16xi1>
      %masked_sort3A_241, %masked_sort3A_242, %masked_sort3A_243 = tpu.sort %mul3A_219, %add3A_200 masked %masked_sort3A : (vector<16xf32>, vector<16xi32>, vector<16xi1>) -> (vector<16xi1>, vector<16xf32>, vector<16xi32>)
      %masked_sort3A_244 = arith.constant dense<true> : vector<16xi1>
      %masked_sort3A_245, %masked_sort3A_246, %masked_sort3A_247 = tpu.sort %mul3A_226, %add3A_204 masked %masked_sort3A_244 : (vector<16xf32>, vector<16xi32>, vector<16xi1>) -> (vector<16xi1>, vector<16xf32>, vector<16xi32>)
      %masked_sort3A_248 = arith.constant dense<true> : vector<16xi1>
      %masked_sort3A_249, %masked_sort3A_250, %masked_sort3A_251 = tpu.sort %mul3A_233, %add3A_208 masked %masked_sort3A_248 : (vector<16xf32>, vector<16xi32>, vector<16xi1>) -> (vector<16xi1>, vector<16xf32>, vector<16xi32>)
      %masked_sort3A_252 = arith.constant dense<true> : vector<16xi1>
      %masked_sort3A_253, %masked_sort3A_254, %masked_sort3A_255 = tpu.sort %mul3A_240, %add3A_212 masked %masked_sort3A_252 : (vector<16xf32>, vector<16xi32>, vector<16xi1>) -> (vector<16xi1>, vector<16xf32>, vector<16xi32>)
      %gather3A_256 = tpu.vector_load_idx %arg12[%masked_sort3A_243] : memref<8192xf32, #tpu.memory_space<vmem>>[vector<16xi32>], vector<16xf32>,
      %gather3A_257 = tpu.vector_load_idx %arg13[%masked_sort3A_247] : memref<8192xf32, #tpu.memory_space<vmem>>[vector<16xi32>], vector<16xf32>,
      %gather3A_258 = tpu.vector_load_idx %arg14[%masked_sort3A_251] : memref<8192xf32, #tpu.memory_space<vmem>>[vector<16xi32>], vector<16xf32>,
      %gather3A_259 = tpu.vector_load_idx %arg15[%masked_sort3A_255] : memref<8192xf32, #tpu.memory_space<vmem>>[vector<16xi32>], vector<16xf32>,
      %max3A = arith.maximumf %gather3A_256, %masked_sort3A_242 : vector<16xf32>
      %max3A_260 = arith.maximumf %gather3A_257, %masked_sort3A_246 : vector<16xf32>
      %max3A_261 = arith.maximumf %gather3A_258, %masked_sort3A_250 : vector<16xf32>
      %max3A_262 = arith.maximumf %gather3A_259, %masked_sort3A_254 : vector<16xf32>
      tpu.vector_store_idx %arg12[%masked_sort3A_243], %max3A : memref<8192xf32, #tpu.memory_space<vmem>>[vector<16xi32>], vector<16xf32>,
      tpu.vector_store_idx %arg13[%masked_sort3A_247], %max3A_260 : memref<8192xf32, #tpu.memory_space<vmem>>[vector<16xi32>], vector<16xf32>,
      tpu.vector_store_idx %arg14[%masked_sort3A_251], %max3A_261 : memref<8192xf32, #tpu.memory_space<vmem>>[vector<16xi32>], vector<16xf32>,
      tpu.vector_store_idx %arg15[%masked_sort3A_255], %max3A_262 : memref<8192xf32, #tpu.memory_space<vmem>>[vector<16xi32>], vector<16xf32>,
      %sub3A_263 = arith.constant 1.000000e+00 : f32
      %sub3A_264 = vector.broadcast %sub3A_263 : f32 to vector<16xf32>
      %sub3A_265 = arith.subf %sub3A_264, %mul3A_219 : vector<16xf32>
      %max3A_266 = arith.constant 0.000000e+00 : f32
      %max3A_267 = vector.broadcast %max3A_266 : f32 to vector<16xf32>
      %max3A_268 = arith.maximumf %sub3A_265, %max3A_267 : vector<16xf32>
      %sub3A_269 = arith.constant 1.000000e+00 : f32
      %sub3A_270 = vector.broadcast %sub3A_269 : f32 to vector<16xf32>
      %sub3A_271 = arith.subf %sub3A_270, %mul3A_226 : vector<16xf32>
      %max3A_272 = arith.constant 0.000000e+00 : f32
      %max3A_273 = vector.broadcast %max3A_272 : f32 to vector<16xf32>
      %max3A_274 = arith.maximumf %sub3A_271, %max3A_273 : vector<16xf32>
      %sub3A_275 = arith.constant 1.000000e+00 : f32
      %sub3A_276 = vector.broadcast %sub3A_275 : f32 to vector<16xf32>
      %sub3A_277 = arith.subf %sub3A_276, %mul3A_233 : vector<16xf32>
      %max3A_278 = arith.constant 0.000000e+00 : f32
      %max3A_279 = vector.broadcast %max3A_278 : f32 to vector<16xf32>
      %max3A_280 = arith.maximumf %sub3A_277, %max3A_279 : vector<16xf32>
      %sub3A_281 = arith.constant 1.000000e+00 : f32
      %sub3A_282 = vector.broadcast %sub3A_281 : f32 to vector<16xf32>
      %sub3A_283 = arith.subf %sub3A_282, %mul3A_240 : vector<16xf32>
      %max3A_284 = arith.constant 0.000000e+00 : f32
      %max3A_285 = vector.broadcast %max3A_284 : f32 to vector<16xf32>
      %max3A_286 = arith.maximumf %sub3A_283, %max3A_285 : vector<16xf32>
      %mul3A_287 = arith.mulf %convert_element_type3A, %max3A_268 : vector<16xf32>
      %mul3A_288 = arith.mulf %convert_element_type3A_194, %max3A_274 : vector<16xf32>
      %mul3A_289 = arith.mulf %convert_element_type3A_195, %max3A_280 : vector<16xf32>
      %mul3A_290 = arith.mulf %convert_element_type3A_196, %max3A_286 : vector<16xf32>
      %mul3A_291 = arith.mulf %get3A_104, %convert_element_type3A : vector<16xf32>
      %mul3A_292 = arith.mulf %get3A_106, %convert_element_type3A_194 : vector<16xf32>
      %mul3A_293 = arith.mulf %get3A_108, %convert_element_type3A_195 : vector<16xf32>
      %mul3A_294 = arith.mulf %get3A_110, %convert_element_type3A_196 : vector<16xf32>
      %add3A_295 = arith.addf %scan3A_61, %mul3A_291 : vector<16xf32>
      %add3A_296 = arith.addf %scan3A_62, %convert_element_type3A : vector<16xf32>
      %add3A_297 = arith.addf %scan3A_63, %max3A_268 : vector<16xf32>
      %add3A_298 = arith.addf %scan3A_64, %mul3A_287 : vector<16xf32>
      %add3A_299 = arith.addf %scan3A_65, %mul3A_292 : vector<16xf32>
      %add3A_300 = arith.addf %scan3A_66, %convert_element_type3A_194 : vector<16xf32>
      %add3A_301 = arith.addf %scan3A_67, %max3A_274 : vector<16xf32>
      %add3A_302 = arith.addf %scan3A_68, %mul3A_288 : vector<16xf32>
      %add3A_303 = arith.addf %scan3A_69, %mul3A_293 : vector<16xf32>
      %add3A_304 = arith.addf %scan3A_70, %convert_element_type3A_195 : vector<16xf32>
      %add3A_305 = arith.addf %scan3A_71, %max3A_280 : vector<16xf32>
      %add3A_306 = arith.addf %scan3A_72, %mul3A_289 : vector<16xf32>
      %add3A_307 = arith.addf %scan3A_73, %mul3A_294 : vector<16xf32>
      %add3A_308 = arith.addf %scan3A_74, %convert_element_type3A_196 : vector<16xf32>
      %add3A_309 = arith.addf %scan3A_75, %max3A_286 : vector<16xf32>
      %add3A_310 = arith.addf %scan3A_76, %mul3A_290 : vector<16xf32>
      scf.yield %add3A_295, %add3A_296, %add3A_297, %add3A_298, %add3A_299, %add3A_300, %add3A_301, %add3A_302, %add3A_303, %add3A_304, %add3A_305, %add3A_306, %add3A_307, %add3A_308, %add3A_309, %add3A_310 : vector<16xf32>, vector<16xf32>, vector<16xf32>, vector<16xf32>, vector<16xf32>, vector<16xf32>, vector<16xf32>, vector<16xf32>, vector<16xf32>, vector<16xf32>, vector<16xf32>, vector<16xf32>, vector<16xf32>, vector<16xf32>, vector<16xf32>, vector<16xf32>
    }
    %scan3A_26 = arith.constant 100 : i32
    "tpu.trace_stop"() : () -> ()
    %add3A_27 = arith.addf %scan3A_25#0, %scan3A_25#4 : vector<16xf32>
    %add3A_28 = arith.addf %add3A_27, %scan3A_25#8 : vector<16xf32>
    %add3A_29 = arith.addf %add3A_28, %scan3A_25#12 : vector<16xf32>
    %add3A_30 = arith.addf %scan3A_25#1, %scan3A_25#5 : vector<16xf32>
    %add3A_31 = arith.addf %add3A_30, %scan3A_25#9 : vector<16xf32>
    %add3A_32 = arith.addf %add3A_31, %scan3A_25#13 : vector<16xf32>
    %add3A_33 = arith.addf %scan3A_25#2, %scan3A_25#6 : vector<16xf32>
    %add3A_34 = arith.addf %add3A_33, %scan3A_25#10 : vector<16xf32>
    %add3A_35 = arith.addf %add3A_34, %scan3A_25#14 : vector<16xf32>
    %add3A_36 = arith.addf %scan3A_25#3, %scan3A_25#7 : vector<16xf32>
    %add3A_37 = arith.addf %add3A_36, %scan3A_25#11 : vector<16xf32>
    %add3A_38 = arith.addf %add3A_37, %scan3A_25#15 : vector<16xf32>
    %swap3A = arith.constant 0 : index
    %swap3A_39 = tpu.vector_load %arg16[%swap3A] {strides = array<i32>} : memref<64xf32, #tpu.memory_space<vmem>>, vector<16xf32>,
    tpu.vector_store %arg16[%swap3A], %add3A_29 {strides = array<i32>} : memref<64xf32, #tpu.memory_space<vmem>>, vector<16xf32>,
    %swap3A_40 = arith.constant 16 : index
    %swap3A_41 = tpu.vector_load %arg16[%swap3A_40] {strides = array<i32>} : memref<64xf32, #tpu.memory_space<vmem>>, vector<16xf32>,
    tpu.vector_store %arg16[%swap3A_40], %add3A_32 {strides = array<i32>} : memref<64xf32, #tpu.memory_space<vmem>>, vector<16xf32>,
    %swap3A_42 = arith.constant 32 : index
    %swap3A_43 = tpu.vector_load %arg16[%swap3A_42] {strides = array<i32>} : memref<64xf32, #tpu.memory_space<vmem>>, vector<16xf32>,
    tpu.vector_store %arg16[%swap3A_42], %add3A_35 {strides = array<i32>} : memref<64xf32, #tpu.memory_space<vmem>>, vector<16xf32>,
    %swap3A_44 = arith.constant 48 : index
    %swap3A_45 = tpu.vector_load %arg16[%swap3A_44] {strides = array<i32>} : memref<64xf32, #tpu.memory_space<vmem>>, vector<16xf32>,
    tpu.vector_store %arg16[%swap3A_44], %add3A_38 {strides = array<i32>} : memref<64xf32, #tpu.memory_space<vmem>>, vector<16xf32>,
    %mul3A_46 = arith.constant 4 : i32
    %mul3A_47 = arith.muli %add3A, %mul3A_46 : i32
    "tpu.region"() ({
      %run_scoped3A = tpu.sem_alloc : memref<!tpu.dma_semaphore, #tpu.memory_space<semaphore_mem>>
      %dma_start3A_60 = arith.constant 0 : i32
      %dma_start3A_61 = tpu.memref_slice %arg6[%mul3A_47, %dma_start3A_60] : memref<128x8192xf32, #tpu.memory_space<hbm>> -> memref<1x8192xf32, #tpu.memory_space<hbm>>
      %dma_start3A_62 = tpu.memref_squeeze %dma_start3A_61 : memref<1x8192xf32, #tpu.memory_space<hbm>> -> memref<8192xf32, #tpu.memory_space<hbm>>
      %dma_start3A_63 = arith.constant 0 : i32
      %dma_start3A_64 = tpu.memref_slice %arg6[%mul3A_47, %dma_start3A_63] : memref<128x8192xf32, #tpu.memory_space<hbm>> -> memref<1x8192xf32, #tpu.memory_space<hbm>>
      %dma_start3A_65 = tpu.memref_squeeze %dma_start3A_64 : memref<1x8192xf32, #tpu.memory_space<hbm>> -> memref<8192xf32, #tpu.memory_space<hbm>>
      tpu.enqueue_dma source(%arg12 : memref<8192xf32, #tpu.memory_space<vmem>>) target(%dma_start3A_65 : memref<8192xf32, #tpu.memory_space<hbm>>) target_semaphore(%run_scoped3A : memref<!tpu.dma_semaphore, #tpu.memory_space<semaphore_mem>>)
      %dma_wait3A_66 = arith.constant 0 : i32
      %dma_wait3A_67 = tpu.memref_slice %arg6[%mul3A_47, %dma_wait3A_66] : memref<128x8192xf32, #tpu.memory_space<hbm>> -> memref<1x8192xf32, #tpu.memory_space<hbm>>
      %dma_wait3A_68 = tpu.memref_squeeze %dma_wait3A_67 : memref<1x8192xf32, #tpu.memory_space<hbm>> -> memref<8192xf32, #tpu.memory_space<hbm>>
      %dma_wait3A_69 = arith.constant 0 : i32
      %dma_wait3A_70 = tpu.memref_slice %arg6[%mul3A_47, %dma_wait3A_69] : memref<128x8192xf32, #tpu.memory_space<hbm>> -> memref<1x8192xf32, #tpu.memory_space<hbm>>
      %dma_wait3A_71 = tpu.memref_squeeze %dma_wait3A_70 : memref<1x8192xf32, #tpu.memory_space<hbm>> -> memref<8192xf32, #tpu.memory_space<hbm>>
      tpu.wait_dma2 semaphore(%run_scoped3A : memref<!tpu.dma_semaphore, #tpu.memory_space<semaphore_mem>>) src(%arg12 : memref<8192xf32, #tpu.memory_space<vmem>>) dst(%dma_wait3A_71 : memref<8192xf32, #tpu.memory_space<hbm>>)
      tpu.yield
    }) : () -> ()
    %mul3A_48 = arith.constant 4 : i32
    %mul3A_49 = arith.muli %add3A, %mul3A_48 : i32
    %add3A_50 = arith.constant 1 : i32
    %add3A_51 = arith.addi %mul3A_49, %add3A_50 : i32
    "tpu.region"() ({
      %run_scoped3A = tpu.sem_alloc : memref<!tpu.dma_semaphore, #tpu.memory_space<semaphore_mem>>
      %dma_start3A_60 = arith.constant 0 : i32
      %dma_start3A_61 = tpu.memref_slice %arg6[%add3A_51, %dma_start3A_60] : memref<128x8192xf32, #tpu.memory_space<hbm>> -> memref<1x8192xf32, #tpu.memory_space<hbm>>
      %dma_start3A_62 = tpu.memref_squeeze %dma_start3A_61 : memref<1x8192xf32, #tpu.memory_space<hbm>> -> memref<8192xf32, #tpu.memory_space<hbm>>
      %dma_start3A_63 = arith.constant 0 : i32
      %dma_start3A_64 = tpu.memref_slice %arg6[%add3A_51, %dma_start3A_63] : memref<128x8192xf32, #tpu.memory_space<hbm>> -> memref<1x8192xf32, #tpu.memory_space<hbm>>
      %dma_start3A_65 = tpu.memref_squeeze %dma_start3A_64 : memref<1x8192xf32, #tpu.memory_space<hbm>> -> memref<8192xf32, #tpu.memory_space<hbm>>
      tpu.enqueue_dma source(%arg13 : memref<8192xf32, #tpu.memory_space<vmem>>) target(%dma_start3A_65 : memref<8192xf32, #tpu.memory_space<hbm>>) target_semaphore(%run_scoped3A : memref<!tpu.dma_semaphore, #tpu.memory_space<semaphore_mem>>)
      %dma_wait3A_66 = arith.constant 0 : i32
      %dma_wait3A_67 = tpu.memref_slice %arg6[%add3A_51, %dma_wait3A_66] : memref<128x8192xf32, #tpu.memory_space<hbm>> -> memref<1x8192xf32, #tpu.memory_space<hbm>>
      %dma_wait3A_68 = tpu.memref_squeeze %dma_wait3A_67 : memref<1x8192xf32, #tpu.memory_space<hbm>> -> memref<8192xf32, #tpu.memory_space<hbm>>
      %dma_wait3A_69 = arith.constant 0 : i32
      %dma_wait3A_70 = tpu.memref_slice %arg6[%add3A_51, %dma_wait3A_69] : memref<128x8192xf32, #tpu.memory_space<hbm>> -> memref<1x8192xf32, #tpu.memory_space<hbm>>
      %dma_wait3A_71 = tpu.memref_squeeze %dma_wait3A_70 : memref<1x8192xf32, #tpu.memory_space<hbm>> -> memref<8192xf32, #tpu.memory_space<hbm>>
      tpu.wait_dma2 semaphore(%run_scoped3A : memref<!tpu.dma_semaphore, #tpu.memory_space<semaphore_mem>>) src(%arg13 : memref<8192xf32, #tpu.memory_space<vmem>>) dst(%dma_wait3A_71 : memref<8192xf32, #tpu.memory_space<hbm>>)
      tpu.yield
    }) : () -> ()
    %mul3A_52 = arith.constant 4 : i32
    %mul3A_53 = arith.muli %add3A, %mul3A_52 : i32
    %add3A_54 = arith.constant 2 : i32
    %add3A_55 = arith.addi %mul3A_53, %add3A_54 : i32
    "tpu.region"() ({
      %run_scoped3A = tpu.sem_alloc : memref<!tpu.dma_semaphore, #tpu.memory_space<semaphore_mem>>
      %dma_start3A_60 = arith.constant 0 : i32
      %dma_start3A_61 = tpu.memref_slice %arg6[%add3A_55, %dma_start3A_60] : memref<128x8192xf32, #tpu.memory_space<hbm>> -> memref<1x8192xf32, #tpu.memory_space<hbm>>
      %dma_start3A_62 = tpu.memref_squeeze %dma_start3A_61 : memref<1x8192xf32, #tpu.memory_space<hbm>> -> memref<8192xf32, #tpu.memory_space<hbm>>
      %dma_start3A_63 = arith.constant 0 : i32
      %dma_start3A_64 = tpu.memref_slice %arg6[%add3A_55, %dma_start3A_63] : memref<128x8192xf32, #tpu.memory_space<hbm>> -> memref<1x8192xf32, #tpu.memory_space<hbm>>
      %dma_start3A_65 = tpu.memref_squeeze %dma_start3A_64 : memref<1x8192xf32, #tpu.memory_space<hbm>> -> memref<8192xf32, #tpu.memory_space<hbm>>
      tpu.enqueue_dma source(%arg14 : memref<8192xf32, #tpu.memory_space<vmem>>) target(%dma_start3A_65 : memref<8192xf32, #tpu.memory_space<hbm>>) target_semaphore(%run_scoped3A : memref<!tpu.dma_semaphore, #tpu.memory_space<semaphore_mem>>)
      %dma_wait3A_66 = arith.constant 0 : i32
      %dma_wait3A_67 = tpu.memref_slice %arg6[%add3A_55, %dma_wait3A_66] : memref<128x8192xf32, #tpu.memory_space<hbm>> -> memref<1x8192xf32, #tpu.memory_space<hbm>>
      %dma_wait3A_68 = tpu.memref_squeeze %dma_wait3A_67 : memref<1x8192xf32, #tpu.memory_space<hbm>> -> memref<8192xf32, #tpu.memory_space<hbm>>
      %dma_wait3A_69 = arith.constant 0 : i32
      %dma_wait3A_70 = tpu.memref_slice %arg6[%add3A_55, %dma_wait3A_69] : memref<128x8192xf32, #tpu.memory_space<hbm>> -> memref<1x8192xf32, #tpu.memory_space<hbm>>
      %dma_wait3A_71 = tpu.memref_squeeze %dma_wait3A_70 : memref<1x8192xf32, #tpu.memory_space<hbm>> -> memref<8192xf32, #tpu.memory_space<hbm>>
      tpu.wait_dma2 semaphore(%run_scoped3A : memref<!tpu.dma_semaphore, #tpu.memory_space<semaphore_mem>>) src(%arg14 : memref<8192xf32, #tpu.memory_space<vmem>>) dst(%dma_wait3A_71 : memref<8192xf32, #tpu.memory_space<hbm>>)
      tpu.yield
    }) : () -> ()
    %mul3A_56 = arith.constant 4 : i32
    %mul3A_57 = arith.muli %add3A, %mul3A_56 : i32
    %add3A_58 = arith.constant 3 : i32
    %add3A_59 = arith.addi %mul3A_57, %add3A_58 : i32
    "tpu.region"() ({
      %run_scoped3A = tpu.sem_alloc : memref<!tpu.dma_semaphore, #tpu.memory_space<semaphore_mem>>
      %dma_start3A_60 = arith.constant 0 : i32
      %dma_start3A_61 = tpu.memref_slice %arg6[%add3A_59, %dma_start3A_60] : memref<128x8192xf32, #tpu.memory_space<hbm>> -> memref<1x8192xf32, #tpu.memory_space<hbm>>
      %dma_start3A_62 = tpu.memref_squeeze %dma_start3A_61 : memref<1x8192xf32, #tpu.memory_space<hbm>> -> memref<8192xf32, #tpu.memory_space<hbm>>
      %dma_start3A_63 = arith.constant 0 : i32
      %dma_start3A_64 = tpu.memref_slice %arg6[%add3A_59, %dma_start3A_63] : memref<128x8192xf32, #tpu.memory_space<hbm>> -> memref<1x8192xf32, #tpu.memory_space<hbm>>
      %dma_start3A_65 = tpu.memref_squeeze %dma_start3A_64 : memref<1x8192xf32, #tpu.memory_space<hbm>> -> memref<8192xf32, #tpu.memory_space<hbm>>
      tpu.enqueue_dma source(%arg15 : memref<8192xf32, #tpu.memory_space<vmem>>) target(%dma_start3A_65 : memref<8192xf32, #tpu.memory_space<hbm>>) target_semaphore(%run_scoped3A : memref<!tpu.dma_semaphore, #tpu.memory_space<semaphore_mem>>)
      %dma_wait3A_66 = arith.constant 0 : i32
      %dma_wait3A_67 = tpu.memref_slice %arg6[%add3A_59, %dma_wait3A_66] : memref<128x8192xf32, #tpu.memory_space<hbm>> -> memref<1x8192xf32, #tpu.memory_space<hbm>>
      %dma_wait3A_68 = tpu.memref_squeeze %dma_wait3A_67 : memref<1x8192xf32, #tpu.memory_space<hbm>> -> memref<8192xf32, #tpu.memory_space<hbm>>
      %dma_wait3A_69 = arith.constant 0 : i32
      %dma_wait3A_70 = tpu.memref_slice %arg6[%add3A_59, %dma_wait3A_69] : memref<128x8192xf32, #tpu.memory_space<hbm>> -> memref<1x8192xf32, #tpu.memory_space<hbm>>
      %dma_wait3A_71 = tpu.memref_squeeze %dma_wait3A_70 : memref<1x8192xf32, #tpu.memory_space<hbm>> -> memref<8192xf32, #tpu.memory_space<hbm>>
      tpu.wait_dma2 semaphore(%run_scoped3A : memref<!tpu.dma_semaphore, #tpu.memory_space<semaphore_mem>>) src(%arg15 : memref<8192xf32, #tpu.memory_space<vmem>>) dst(%dma_wait3A_71 : memref<8192xf32, #tpu.memory_space<hbm>>)
      tpu.yield
    }) : () -> ()
    "tpu.region"() ({
      %run_scoped3A = tpu.sem_alloc : memref<!tpu.dma_semaphore, #tpu.memory_space<semaphore_mem>>
      %dma_start3A_60 = arith.constant 0 : i32
      %dma_start3A_61 = tpu.memref_slice %arg7[%add3A, %dma_start3A_60] : memref<32x64xf32, #tpu.memory_space<hbm>> -> memref<1x64xf32, #tpu.memory_space<hbm>>
      %dma_start3A_62 = tpu.memref_squeeze %dma_start3A_61 : memref<1x64xf32, #tpu.memory_space<hbm>> -> memref<64xf32, #tpu.memory_space<hbm>>
      %dma_start3A_63 = arith.constant 0 : i32
      %dma_start3A_64 = tpu.memref_slice %arg7[%add3A, %dma_start3A_63] : memref<32x64xf32, #tpu.memory_space<hbm>> -> memref<1x64xf32, #tpu.memory_space<hbm>>
      %dma_start3A_65 = tpu.memref_squeeze %dma_start3A_64 : memref<1x64xf32, #tpu.memory_space<hbm>> -> memref<64xf32, #tpu.memory_space<hbm>>
      tpu.enqueue_dma source(%arg16 : memref<64xf32, #tpu.memory_space<vmem>>) target(%dma_start3A_65 : memref<64xf32, #tpu.memory_space<hbm>>) target_semaphore(%run_scoped3A : memref<!tpu.dma_semaphore, #tpu.memory_space<semaphore_mem>>)
      %dma_wait3A_66 = arith.constant 0 : i32
      %dma_wait3A_67 = tpu.memref_slice %arg7[%add3A, %dma_wait3A_66] : memref<32x64xf32, #tpu.memory_space<hbm>> -> memref<1x64xf32, #tpu.memory_space<hbm>>
      %dma_wait3A_68 = tpu.memref_squeeze %dma_wait3A_67 : memref<1x64xf32, #tpu.memory_space<hbm>> -> memref<64xf32, #tpu.memory_space<hbm>>
      %dma_wait3A_69 = arith.constant 0 : i32
      %dma_wait3A_70 = tpu.memref_slice %arg7[%add3A, %dma_wait3A_69] : memref<32x64xf32, #tpu.memory_space<hbm>> -> memref<1x64xf32, #tpu.memory_space<hbm>>
      %dma_wait3A_71 = tpu.memref_squeeze %dma_wait3A_70 : memref<1x64xf32, #tpu.memory_space<hbm>> -> memref<64xf32, #tpu.memory_space<hbm>>
      tpu.wait_dma2 semaphore(%run_scoped3A : memref<!tpu.dma_semaphore, #tpu.memory_space<semaphore_mem>>) src(%arg16 : memref<64xf32, #tpu.memory_space<vmem>>) dst(%dma_wait3A_71 : memref<64xf32, #tpu.memory_space<hbm>>)
      tpu.yield
    }) : () -> ()
    return
  }
}

module attributes {stable_mosaic.version = 14 : i64} {
  func.func @_bce_body(%arg0: memref<204800xf32, #tpu.memory_space<vmem>>, %arg1: memref<1x1xf32, #tpu.memory_space<smem>>) attributes {dimension_semantics = [], scalar_prefetch = 0 : i64, scratch_operands = 0 : i64, tpu.core_type = #tpu.core_type<tc>} {
    %get3A = arith.constant 0 : index
    %get3A_0 = vector.load %arg0[%get3A] : memref<204800xf32, #tpu.memory_space<vmem>>, vector<204800xf32>
    %max3A = arith.constant 0.000000e+00 : f32
    %max3A_1 = vector.broadcast %max3A : f32 to vector<204800xf32>
    %max3A_2 = arith.maximumf %get3A_0, %max3A_1 : vector<204800xf32>
    %abs3A = math.absf %get3A_0 : vector<204800xf32>
    %neg3A = arith.constant 0.000000e+00 : f32
    %neg3A_3 = vector.broadcast %neg3A : f32 to vector<204800xf32>
    %neg3A_4 = arith.subf %neg3A_3, %abs3A : vector<204800xf32>
    %exp3A = math.exp %neg3A_4 : vector<204800xf32>
    %log1p3A = math.log1p %exp3A : vector<204800xf32>
    %add3A = arith.addf %max3A_2, %log1p3A : vector<204800xf32>
    %reduce_sum3A = vector.shape_cast %add3A : vector<204800xf32> to vector<1x204800xf32>
    %reduce_sum3A_5 = arith.constant dense<0.000000e+00> : vector<1xf32>
    %reduce_sum3A_6 = vector.multi_reduction <add>, %reduce_sum3A, %reduce_sum3A_5 [1] : vector<1x204800xf32> to vector<1xf32>
    %reduce_sum3A_7 = vector.shape_cast %reduce_sum3A_6 : vector<1xf32> to vector<1x1xf32>
    %reduce_sum3A_8 = vector.extract %reduce_sum3A_7[0, 0] : f32 from vector<1x1xf32>
    %swap3A = arith.constant 0 : index
    %swap3A_9 = arith.constant 0 : index
    %swap3A_10 = memref.load %arg1[%swap3A, %swap3A_9] : memref<1x1xf32, #tpu.memory_space<smem>>
    memref.store %reduce_sum3A_8, %arg1[%swap3A, %swap3A_9] : memref<1x1xf32, #tpu.memory_space<smem>>
    return
  }
}

module attributes {stable_mosaic.version = 14 : i64} {
  func.func @_fin_body(%arg0: memref<128x8192xf32, #tpu.memory_space<vmem>>, %arg1: memref<32x64xf32, #tpu.memory_space<vmem>>, %arg2: memref<1x1xf32, #tpu.memory_space<smem>>, %arg3: memref<1x1xf32, #tpu.memory_space<smem>>) attributes {dimension_semantics = [], scalar_prefetch = 0 : i64, scratch_operands = 0 : i64, tpu.core_type = #tpu.core_type<tc>} {
    %get3A = arith.constant 0 : index
    %get3A_0 = arith.constant 0 : index
    %get3A_1 = vector.load %arg0[%get3A, %get3A_0] : memref<128x8192xf32, #tpu.memory_space<vmem>>, vector<128x8192xf32>
    %reduce_max3A = arith.constant dense<0xFF800000> : vector<8192xf32>
    %reduce_max3A_2 = vector.multi_reduction <maximumf>, %get3A_1, %reduce_max3A [0] : vector<128x8192xf32> to vector<8192xf32>
    %broadcast_in_dim3A = vector.shape_cast %reduce_max3A_2 : vector<8192xf32> to vector<1x8192xf32>
    %slice3A = vector.extract_strided_slice %broadcast_in_dim3A {offsets = [0, 0], sizes = [1, 4096], strides = [1, 1]} : vector<1x8192xf32> to vector<1x4096xf32>
    %slice3A_3 = vector.extract_strided_slice %broadcast_in_dim3A {offsets = [0, 4096], sizes = [1, 4096], strides = [1, 1]} : vector<1x8192xf32> to vector<1x4096xf32>
    %gt3A = arith.constant 0xFF800000 : f32
    %gt3A_4 = vector.broadcast %gt3A : f32 to vector<1x4096xf32>
    %gt3A_5 = arith.cmpf ogt, %slice3A, %gt3A_4 : vector<1x4096xf32>
    %gt3A_6 = arith.constant 0xFF800000 : f32
    %gt3A_7 = vector.broadcast %gt3A_6 : f32 to vector<1x4096xf32>
    %gt3A_8 = arith.cmpf ogt, %slice3A_3, %gt3A_7 : vector<1x4096xf32>
    %and3A = arith.andi %gt3A_5, %gt3A_8 : vector<1x4096xi1>
    %add3A = arith.constant 5.000000e-01 : f32
    %add3A_9 = vector.broadcast %add3A : f32 to vector<1x4096xf32>
    %add3A_10 = arith.addf %add3A_9, %slice3A : vector<1x4096xf32>
    %add3A_11 = arith.addf %add3A_10, %slice3A_3 : vector<1x4096xf32>
    %max3A = arith.constant 0.000000e+00 : f32
    %max3A_12 = vector.broadcast %max3A : f32 to vector<1x4096xf32>
    %max3A_13 = arith.maximumf %add3A_11, %max3A_12 : vector<1x4096xf32>
    %jit3A = arith.constant 0.000000e+00 : f32
    %broadcast_in_dim3A_14 = vector.broadcast %jit3A : f32 to vector<1x4096xf32>
    %select_n3A = arith.select %and3A, %max3A_13, %broadcast_in_dim3A_14 : vector<1x4096xi1>, vector<1x4096xf32>
    %convert_element_type3A = arith.extui %and3A : vector<1x4096xi1> to vector<1x4096xi32>
    %convert_element_type3A_15 = arith.sitofp %convert_element_type3A : vector<1x4096xi32> to vector<1x4096xf32>
    %reduce_sum3A = vector.shape_cast %convert_element_type3A_15 : vector<1x4096xf32> to vector<1x1x4096xf32>
    %reduce_sum3A_16 = arith.constant dense<0.000000e+00> : vector<1xf32>
    %reduce_sum3A_17 = vector.multi_reduction <add>, %reduce_sum3A, %reduce_sum3A_16 [1, 2] : vector<1x1x4096xf32> to vector<1xf32>
    %reduce_sum3A_18 = vector.shape_cast %reduce_sum3A_17 : vector<1xf32> to vector<1x1x1xf32>
    %reduce_sum3A_19 = vector.extract %reduce_sum3A_18[0, 0, 0] : f32 from vector<1x1x1xf32>
    %reduce_sum3A_20 = vector.shape_cast %select_n3A : vector<1x4096xf32> to vector<1x1x4096xf32>
    %reduce_sum3A_21 = arith.constant dense<0.000000e+00> : vector<1xf32>
    %reduce_sum3A_22 = vector.multi_reduction <add>, %reduce_sum3A_20, %reduce_sum3A_21 [1, 2] : vector<1x1x4096xf32> to vector<1xf32>
    %reduce_sum3A_23 = vector.shape_cast %reduce_sum3A_22 : vector<1xf32> to vector<1x1x1xf32>
    %reduce_sum3A_24 = vector.extract %reduce_sum3A_23[0, 0, 0] : f32 from vector<1x1x1xf32>
    %get3A_25 = arith.constant 0 : index
    %get3A_26 = arith.constant 0 : index
    %get3A_27 = vector.load %arg1[%get3A_25, %get3A_26] : memref<32x64xf32, #tpu.memory_space<vmem>>, vector<32x64xf32>
    %slice3A_28 = vector.extract_strided_slice %get3A_27 {offsets = [0, 0], sizes = [32, 16], strides = [1, 1]} : vector<32x64xf32> to vector<32x16xf32>
    %reduce_sum3A_29 = vector.shape_cast %slice3A_28 : vector<32x16xf32> to vector<1x32x16xf32>
    %reduce_sum3A_30 = arith.constant dense<0.000000e+00> : vector<1xf32>
    %reduce_sum3A_31 = vector.multi_reduction <add>, %reduce_sum3A_29, %reduce_sum3A_30 [1, 2] : vector<1x32x16xf32> to vector<1xf32>
    %reduce_sum3A_32 = vector.shape_cast %reduce_sum3A_31 : vector<1xf32> to vector<1x1x1xf32>
    %reduce_sum3A_33 = vector.extract %reduce_sum3A_32[0, 0, 0] : f32 from vector<1x1x1xf32>
    %slice3A_34 = vector.extract_strided_slice %get3A_27 {offsets = [0, 16], sizes = [32, 16], strides = [1, 1]} : vector<32x64xf32> to vector<32x16xf32>
    %reduce_sum3A_35 = vector.shape_cast %slice3A_34 : vector<32x16xf32> to vector<1x32x16xf32>
    %reduce_sum3A_36 = arith.constant dense<0.000000e+00> : vector<1xf32>
    %reduce_sum3A_37 = vector.multi_reduction <add>, %reduce_sum3A_35, %reduce_sum3A_36 [1, 2] : vector<1x32x16xf32> to vector<1xf32>
    %reduce_sum3A_38 = vector.shape_cast %reduce_sum3A_37 : vector<1xf32> to vector<1x1x1xf32>
    %reduce_sum3A_39 = vector.extract %reduce_sum3A_38[0, 0, 0] : f32 from vector<1x1x1xf32>
    %slice3A_40 = vector.extract_strided_slice %get3A_27 {offsets = [0, 32], sizes = [32, 16], strides = [1, 1]} : vector<32x64xf32> to vector<32x16xf32>
    %reduce_sum3A_41 = vector.shape_cast %slice3A_40 : vector<32x16xf32> to vector<1x32x16xf32>
    %reduce_sum3A_42 = arith.constant dense<0.000000e+00> : vector<1xf32>
    %reduce_sum3A_43 = vector.multi_reduction <add>, %reduce_sum3A_41, %reduce_sum3A_42 [1, 2] : vector<1x32x16xf32> to vector<1xf32>
    %reduce_sum3A_44 = vector.shape_cast %reduce_sum3A_43 : vector<1xf32> to vector<1x1x1xf32>
    %reduce_sum3A_45 = vector.extract %reduce_sum3A_44[0, 0, 0] : f32 from vector<1x1x1xf32>
    %slice3A_46 = vector.extract_strided_slice %get3A_27 {offsets = [0, 48], sizes = [32, 16], strides = [1, 1]} : vector<32x64xf32> to vector<32x16xf32>
    %reduce_sum3A_47 = vector.shape_cast %slice3A_46 : vector<32x16xf32> to vector<1x32x16xf32>
    %reduce_sum3A_48 = arith.constant dense<0.000000e+00> : vector<1xf32>
    %reduce_sum3A_49 = vector.multi_reduction <add>, %reduce_sum3A_47, %reduce_sum3A_48 [1, 2] : vector<1x32x16xf32> to vector<1xf32>
    %reduce_sum3A_50 = vector.shape_cast %reduce_sum3A_49 : vector<1xf32> to vector<1x1x1xf32>
    %reduce_sum3A_51 = vector.extract %reduce_sum3A_50[0, 0, 0] : f32 from vector<1x1x1xf32>
    %sub3A = arith.subf %reduce_sum3A_45, %reduce_sum3A_51 : f32
    %sub3A_52 = arith.constant 2.048000e+05 : f32
    %sub3A_53 = arith.subf %sub3A_52, %reduce_sum3A_39 : f32
    %get3A_54 = arith.constant 0 : index
    %get3A_55 = arith.constant 0 : index
    %get3A_56 = memref.load %arg2[%get3A_54, %get3A_55] : memref<1x1xf32, #tpu.memory_space<smem>>
    %sub3A_57 = arith.subf %get3A_56, %reduce_sum3A_33 : f32
    %div3A = arith.constant 2.048000e+05 : f32
    %div3A_58 = arith.divf %sub3A_57, %div3A : f32
    %mul3A = arith.constant 1.000000e+01 : f32
    %mul3A_59 = arith.mulf %div3A_58, %mul3A : f32
    %max3A_60 = arith.constant 1.000000e+00 : f32
    %max3A_61 = arith.maximumf %reduce_sum3A_19, %max3A_60 : f32
    %div3A_62 = arith.constant 2.048000e+05 : f32
    %div3A_63 = arith.divf %div3A_62, %max3A_61 : f32
    %max3A_64 = arith.constant 1.000000e+00 : f32
    %max3A_65 = arith.maximumf %div3A_63, %max3A_64 : f32
    %div3A_66 = arith.constant 1.000000e+01 : f32
    %div3A_67 = arith.divf %div3A_66, %max3A_65 : f32
    %mul3A_68 = arith.mulf %reduce_sum3A_24, %div3A_67 : f32
    %gt3A_69 = arith.constant 0.000000e+00 : f32
    %gt3A_70 = arith.cmpf ogt, %reduce_sum3A_39, %gt3A_69 : f32
    %max3A_71 = arith.constant 1.000000e+00 : f32
    %max3A_72 = arith.maximumf %reduce_sum3A_39, %max3A_71 : f32
    %div3A_73 = arith.divf %reduce_sum3A_51, %max3A_72 : f32
    %jit3A_74 = arith.constant 0.000000e+00 : f32
    %select_n3A_75 = arith.select %gt3A_70, %div3A_73, %jit3A_74 : f32
    %gt3A_76 = arith.constant 0.000000e+00 : f32
    %gt3A_77 = arith.cmpf ogt, %sub3A_53, %gt3A_76 : f32
    %max3A_78 = arith.constant 1.000000e+00 : f32
    %max3A_79 = arith.maximumf %sub3A_53, %max3A_78 : f32
    %div3A_80 = arith.divf %sub3A, %max3A_79 : f32
    %jit3A_81 = arith.constant 0.000000e+00 : f32
    %select_n3A_82 = arith.select %gt3A_77, %div3A_80, %jit3A_81 : f32
    %add3A_83 = arith.addf %select_n3A_75, %select_n3A_82 : f32
    %add3A_84 = arith.addf %mul3A_59, %mul3A_68 : f32
    %mul3A_85 = arith.constant 5.000000e-01 : f32
    %mul3A_86 = arith.mulf %mul3A_85, %add3A_83 : f32
    %add3A_87 = arith.addf %add3A_84, %mul3A_86 : f32
    %swap3A = arith.constant 0 : index
    %swap3A_88 = arith.constant 0 : index
    %swap3A_89 = memref.load %arg3[%swap3A, %swap3A_88] : memref<1x1xf32, #tpu.memory_space<smem>>
    memref.store %add3A_87, %arg3[%swap3A, %swap3A_88] : memref<1x1xf32, #tpu.memory_space<smem>>
    return
  }
}

module attributes {stable_mosaic.version = 14 : i64} {
  func.func @_pre_body(%arg0: memref<4096x50xi32, #tpu.memory_space<vmem>>, %arg1: memref<64x128xi32, #tpu.memory_space<vmem>>) attributes {dimension_semantics = [], scalar_prefetch = 0 : i64, scratch_operands = 0 : i64, tpu.core_type = #tpu.core_type<tc>} {
    %get3A = arith.constant 0 : index
    %get3A_0 = arith.constant 0 : index
    %get3A_1 = vector.load %arg0[%get3A, %get3A_0] : memref<4096x50xi32, #tpu.memory_space<vmem>>, vector<64x50xi32>
    %shift_left3A = arith.constant 0 : i32
    %shift_left3A_2 = vector.broadcast %shift_left3A : i32 to vector<64x50xi32>
    %shift_left3A_3 = arith.shli %get3A_1, %shift_left3A_2 : vector<64x50xi32>
    %get3A_4 = arith.constant 128 : index
    %get3A_5 = arith.constant 0 : index
    %get3A_6 = vector.load %arg0[%get3A_4, %get3A_5] : memref<4096x50xi32, #tpu.memory_space<vmem>>, vector<64x50xi32>
    %shift_left3A_7 = arith.constant 1 : i32
    %shift_left3A_8 = vector.broadcast %shift_left3A_7 : i32 to vector<64x50xi32>
    %shift_left3A_9 = arith.shli %get3A_6, %shift_left3A_8 : vector<64x50xi32>
    %get3A_10 = arith.constant 256 : index
    %get3A_11 = arith.constant 0 : index
    %get3A_12 = vector.load %arg0[%get3A_10, %get3A_11] : memref<4096x50xi32, #tpu.memory_space<vmem>>, vector<64x50xi32>
    %shift_left3A_13 = arith.constant 2 : i32
    %shift_left3A_14 = vector.broadcast %shift_left3A_13 : i32 to vector<64x50xi32>
    %shift_left3A_15 = arith.shli %get3A_12, %shift_left3A_14 : vector<64x50xi32>
    %get3A_16 = arith.constant 384 : index
    %get3A_17 = arith.constant 0 : index
    %get3A_18 = vector.load %arg0[%get3A_16, %get3A_17] : memref<4096x50xi32, #tpu.memory_space<vmem>>, vector<64x50xi32>
    %shift_left3A_19 = arith.constant 3 : i32
    %shift_left3A_20 = vector.broadcast %shift_left3A_19 : i32 to vector<64x50xi32>
    %shift_left3A_21 = arith.shli %get3A_18, %shift_left3A_20 : vector<64x50xi32>
    %get3A_22 = arith.constant 512 : index
    %get3A_23 = arith.constant 0 : index
    %get3A_24 = vector.load %arg0[%get3A_22, %get3A_23] : memref<4096x50xi32, #tpu.memory_space<vmem>>, vector<64x50xi32>
    %shift_left3A_25 = arith.constant 4 : i32
    %shift_left3A_26 = vector.broadcast %shift_left3A_25 : i32 to vector<64x50xi32>
    %shift_left3A_27 = arith.shli %get3A_24, %shift_left3A_26 : vector<64x50xi32>
    %get3A_28 = arith.constant 640 : index
    %get3A_29 = arith.constant 0 : index
    %get3A_30 = vector.load %arg0[%get3A_28, %get3A_29] : memref<4096x50xi32, #tpu.memory_space<vmem>>, vector<64x50xi32>
    %shift_left3A_31 = arith.constant 5 : i32
    %shift_left3A_32 = vector.broadcast %shift_left3A_31 : i32 to vector<64x50xi32>
    %shift_left3A_33 = arith.shli %get3A_30, %shift_left3A_32 : vector<64x50xi32>
    %get3A_34 = arith.constant 768 : index
    %get3A_35 = arith.constant 0 : index
    %get3A_36 = vector.load %arg0[%get3A_34, %get3A_35] : memref<4096x50xi32, #tpu.memory_space<vmem>>, vector<64x50xi32>
    %shift_left3A_37 = arith.constant 6 : i32
    %shift_left3A_38 = vector.broadcast %shift_left3A_37 : i32 to vector<64x50xi32>
    %shift_left3A_39 = arith.shli %get3A_36, %shift_left3A_38 : vector<64x50xi32>
    %get3A_40 = arith.constant 896 : index
    %get3A_41 = arith.constant 0 : index
    %get3A_42 = vector.load %arg0[%get3A_40, %get3A_41] : memref<4096x50xi32, #tpu.memory_space<vmem>>, vector<64x50xi32>
    %shift_left3A_43 = arith.constant 7 : i32
    %shift_left3A_44 = vector.broadcast %shift_left3A_43 : i32 to vector<64x50xi32>
    %shift_left3A_45 = arith.shli %get3A_42, %shift_left3A_44 : vector<64x50xi32>
    %get3A_46 = arith.constant 1024 : index
    %get3A_47 = arith.constant 0 : index
    %get3A_48 = vector.load %arg0[%get3A_46, %get3A_47] : memref<4096x50xi32, #tpu.memory_space<vmem>>, vector<64x50xi32>
    %shift_left3A_49 = arith.constant 8 : i32
    %shift_left3A_50 = vector.broadcast %shift_left3A_49 : i32 to vector<64x50xi32>
    %shift_left3A_51 = arith.shli %get3A_48, %shift_left3A_50 : vector<64x50xi32>
    %get3A_52 = arith.constant 1152 : index
    %get3A_53 = arith.constant 0 : index
    %get3A_54 = vector.load %arg0[%get3A_52, %get3A_53] : memref<4096x50xi32, #tpu.memory_space<vmem>>, vector<64x50xi32>
    %shift_left3A_55 = arith.constant 9 : i32
    %shift_left3A_56 = vector.broadcast %shift_left3A_55 : i32 to vector<64x50xi32>
    %shift_left3A_57 = arith.shli %get3A_54, %shift_left3A_56 : vector<64x50xi32>
    %get3A_58 = arith.constant 1280 : index
    %get3A_59 = arith.constant 0 : index
    %get3A_60 = vector.load %arg0[%get3A_58, %get3A_59] : memref<4096x50xi32, #tpu.memory_space<vmem>>, vector<64x50xi32>
    %shift_left3A_61 = arith.constant 10 : i32
    %shift_left3A_62 = vector.broadcast %shift_left3A_61 : i32 to vector<64x50xi32>
    %shift_left3A_63 = arith.shli %get3A_60, %shift_left3A_62 : vector<64x50xi32>
    %get3A_64 = arith.constant 1408 : index
    %get3A_65 = arith.constant 0 : index
    %get3A_66 = vector.load %arg0[%get3A_64, %get3A_65] : memref<4096x50xi32, #tpu.memory_space<vmem>>, vector<64x50xi32>
    %shift_left3A_67 = arith.constant 11 : i32
    %shift_left3A_68 = vector.broadcast %shift_left3A_67 : i32 to vector<64x50xi32>
    %shift_left3A_69 = arith.shli %get3A_66, %shift_left3A_68 : vector<64x50xi32>
    %get3A_70 = arith.constant 1536 : index
    %get3A_71 = arith.constant 0 : index
    %get3A_72 = vector.load %arg0[%get3A_70, %get3A_71] : memref<4096x50xi32, #tpu.memory_space<vmem>>, vector<64x50xi32>
    %shift_left3A_73 = arith.constant 12 : i32
    %shift_left3A_74 = vector.broadcast %shift_left3A_73 : i32 to vector<64x50xi32>
    %shift_left3A_75 = arith.shli %get3A_72, %shift_left3A_74 : vector<64x50xi32>
    %get3A_76 = arith.constant 1664 : index
    %get3A_77 = arith.constant 0 : index
    %get3A_78 = vector.load %arg0[%get3A_76, %get3A_77] : memref<4096x50xi32, #tpu.memory_space<vmem>>, vector<64x50xi32>
    %shift_left3A_79 = arith.constant 13 : i32
    %shift_left3A_80 = vector.broadcast %shift_left3A_79 : i32 to vector<64x50xi32>
    %shift_left3A_81 = arith.shli %get3A_78, %shift_left3A_80 : vector<64x50xi32>
    %get3A_82 = arith.constant 1792 : index
    %get3A_83 = arith.constant 0 : index
    %get3A_84 = vector.load %arg0[%get3A_82, %get3A_83] : memref<4096x50xi32, #tpu.memory_space<vmem>>, vector<64x50xi32>
    %shift_left3A_85 = arith.constant 14 : i32
    %shift_left3A_86 = vector.broadcast %shift_left3A_85 : i32 to vector<64x50xi32>
    %shift_left3A_87 = arith.shli %get3A_84, %shift_left3A_86 : vector<64x50xi32>
    %get3A_88 = arith.constant 1920 : index
    %get3A_89 = arith.constant 0 : index
    %get3A_90 = vector.load %arg0[%get3A_88, %get3A_89] : memref<4096x50xi32, #tpu.memory_space<vmem>>, vector<64x50xi32>
    %shift_left3A_91 = arith.constant 15 : i32
    %shift_left3A_92 = vector.broadcast %shift_left3A_91 : i32 to vector<64x50xi32>
    %shift_left3A_93 = arith.shli %get3A_90, %shift_left3A_92 : vector<64x50xi32>
    %get3A_94 = arith.constant 2048 : index
    %get3A_95 = arith.constant 0 : index
    %get3A_96 = vector.load %arg0[%get3A_94, %get3A_95] : memref<4096x50xi32, #tpu.memory_space<vmem>>, vector<64x50xi32>
    %shift_left3A_97 = arith.constant 16 : i32
    %shift_left3A_98 = vector.broadcast %shift_left3A_97 : i32 to vector<64x50xi32>
    %shift_left3A_99 = arith.shli %get3A_96, %shift_left3A_98 : vector<64x50xi32>
    %get3A_100 = arith.constant 2176 : index
    %get3A_101 = arith.constant 0 : index
    %get3A_102 = vector.load %arg0[%get3A_100, %get3A_101] : memref<4096x50xi32, #tpu.memory_space<vmem>>, vector<64x50xi32>
    %shift_left3A_103 = arith.constant 17 : i32
    %shift_left3A_104 = vector.broadcast %shift_left3A_103 : i32 to vector<64x50xi32>
    %shift_left3A_105 = arith.shli %get3A_102, %shift_left3A_104 : vector<64x50xi32>
    %get3A_106 = arith.constant 2304 : index
    %get3A_107 = arith.constant 0 : index
    %get3A_108 = vector.load %arg0[%get3A_106, %get3A_107] : memref<4096x50xi32, #tpu.memory_space<vmem>>, vector<64x50xi32>
    %shift_left3A_109 = arith.constant 18 : i32
    %shift_left3A_110 = vector.broadcast %shift_left3A_109 : i32 to vector<64x50xi32>
    %shift_left3A_111 = arith.shli %get3A_108, %shift_left3A_110 : vector<64x50xi32>
    %get3A_112 = arith.constant 2432 : index
    %get3A_113 = arith.constant 0 : index
    %get3A_114 = vector.load %arg0[%get3A_112, %get3A_113] : memref<4096x50xi32, #tpu.memory_space<vmem>>, vector<64x50xi32>
    %shift_left3A_115 = arith.constant 19 : i32
    %shift_left3A_116 = vector.broadcast %shift_left3A_115 : i32 to vector<64x50xi32>
    %shift_left3A_117 = arith.shli %get3A_114, %shift_left3A_116 : vector<64x50xi32>
    %get3A_118 = arith.constant 2560 : index
    %get3A_119 = arith.constant 0 : index
    %get3A_120 = vector.load %arg0[%get3A_118, %get3A_119] : memref<4096x50xi32, #tpu.memory_space<vmem>>, vector<64x50xi32>
    %shift_left3A_121 = arith.constant 20 : i32
    %shift_left3A_122 = vector.broadcast %shift_left3A_121 : i32 to vector<64x50xi32>
    %shift_left3A_123 = arith.shli %get3A_120, %shift_left3A_122 : vector<64x50xi32>
    %get3A_124 = arith.constant 2688 : index
    %get3A_125 = arith.constant 0 : index
    %get3A_126 = vector.load %arg0[%get3A_124, %get3A_125] : memref<4096x50xi32, #tpu.memory_space<vmem>>, vector<64x50xi32>
    %shift_left3A_127 = arith.constant 21 : i32
    %shift_left3A_128 = vector.broadcast %shift_left3A_127 : i32 to vector<64x50xi32>
    %shift_left3A_129 = arith.shli %get3A_126, %shift_left3A_128 : vector<64x50xi32>
    %get3A_130 = arith.constant 2816 : index
    %get3A_131 = arith.constant 0 : index
    %get3A_132 = vector.load %arg0[%get3A_130, %get3A_131] : memref<4096x50xi32, #tpu.memory_space<vmem>>, vector<64x50xi32>
    %shift_left3A_133 = arith.constant 22 : i32
    %shift_left3A_134 = vector.broadcast %shift_left3A_133 : i32 to vector<64x50xi32>
    %shift_left3A_135 = arith.shli %get3A_132, %shift_left3A_134 : vector<64x50xi32>
    %get3A_136 = arith.constant 2944 : index
    %get3A_137 = arith.constant 0 : index
    %get3A_138 = vector.load %arg0[%get3A_136, %get3A_137] : memref<4096x50xi32, #tpu.memory_space<vmem>>, vector<64x50xi32>
    %shift_left3A_139 = arith.constant 23 : i32
    %shift_left3A_140 = vector.broadcast %shift_left3A_139 : i32 to vector<64x50xi32>
    %shift_left3A_141 = arith.shli %get3A_138, %shift_left3A_140 : vector<64x50xi32>
    %get3A_142 = arith.constant 3072 : index
    %get3A_143 = arith.constant 0 : index
    %get3A_144 = vector.load %arg0[%get3A_142, %get3A_143] : memref<4096x50xi32, #tpu.memory_space<vmem>>, vector<64x50xi32>
    %shift_left3A_145 = arith.constant 24 : i32
    %shift_left3A_146 = vector.broadcast %shift_left3A_145 : i32 to vector<64x50xi32>
    %shift_left3A_147 = arith.shli %get3A_144, %shift_left3A_146 : vector<64x50xi32>
    %get3A_148 = arith.constant 3200 : index
    %get3A_149 = arith.constant 0 : index
    %get3A_150 = vector.load %arg0[%get3A_148, %get3A_149] : memref<4096x50xi32, #tpu.memory_space<vmem>>, vector<64x50xi32>
    %shift_left3A_151 = arith.constant 25 : i32
    %shift_left3A_152 = vector.broadcast %shift_left3A_151 : i32 to vector<64x50xi32>
    %shift_left3A_153 = arith.shli %get3A_150, %shift_left3A_152 : vector<64x50xi32>
    %get3A_154 = arith.constant 3328 : index
    %get3A_155 = arith.constant 0 : index
    %get3A_156 = vector.load %arg0[%get3A_154, %get3A_155] : memref<4096x50xi32, #tpu.memory_space<vmem>>, vector<64x50xi32>
    %shift_left3A_157 = arith.constant 26 : i32
    %shift_left3A_158 = vector.broadcast %shift_left3A_157 : i32 to vector<64x50xi32>
    %shift_left3A_159 = arith.shli %get3A_156, %shift_left3A_158 : vector<64x50xi32>
    %get3A_160 = arith.constant 3456 : index
    %get3A_161 = arith.constant 0 : index
    %get3A_162 = vector.load %arg0[%get3A_160, %get3A_161] : memref<4096x50xi32, #tpu.memory_space<vmem>>, vector<64x50xi32>
    %shift_left3A_163 = arith.constant 27 : i32
    %shift_left3A_164 = vector.broadcast %shift_left3A_163 : i32 to vector<64x50xi32>
    %shift_left3A_165 = arith.shli %get3A_162, %shift_left3A_164 : vector<64x50xi32>
    %get3A_166 = arith.constant 3584 : index
    %get3A_167 = arith.constant 0 : index
    %get3A_168 = vector.load %arg0[%get3A_166, %get3A_167] : memref<4096x50xi32, #tpu.memory_space<vmem>>, vector<64x50xi32>
    %shift_left3A_169 = arith.constant 28 : i32
    %shift_left3A_170 = vector.broadcast %shift_left3A_169 : i32 to vector<64x50xi32>
    %shift_left3A_171 = arith.shli %get3A_168, %shift_left3A_170 : vector<64x50xi32>
    %get3A_172 = arith.constant 3712 : index
    %get3A_173 = arith.constant 0 : index
    %get3A_174 = vector.load %arg0[%get3A_172, %get3A_173] : memref<4096x50xi32, #tpu.memory_space<vmem>>, vector<64x50xi32>
    %shift_left3A_175 = arith.constant 29 : i32
    %shift_left3A_176 = vector.broadcast %shift_left3A_175 : i32 to vector<64x50xi32>
    %shift_left3A_177 = arith.shli %get3A_174, %shift_left3A_176 : vector<64x50xi32>
    %get3A_178 = arith.constant 3840 : index
    %get3A_179 = arith.constant 0 : index
    %get3A_180 = vector.load %arg0[%get3A_178, %get3A_179] : memref<4096x50xi32, #tpu.memory_space<vmem>>, vector<64x50xi32>
    %shift_left3A_181 = arith.constant 30 : i32
    %shift_left3A_182 = vector.broadcast %shift_left3A_181 : i32 to vector<64x50xi32>
    %shift_left3A_183 = arith.shli %get3A_180, %shift_left3A_182 : vector<64x50xi32>
    %get3A_184 = arith.constant 3968 : index
    %get3A_185 = arith.constant 0 : index
    %get3A_186 = vector.load %arg0[%get3A_184, %get3A_185] : memref<4096x50xi32, #tpu.memory_space<vmem>>, vector<64x50xi32>
    %shift_left3A_187 = arith.constant 31 : i32
    %shift_left3A_188 = vector.broadcast %shift_left3A_187 : i32 to vector<64x50xi32>
    %shift_left3A_189 = arith.shli %get3A_186, %shift_left3A_188 : vector<64x50xi32>
    %get3A_190 = arith.constant 64 : index
    %get3A_191 = arith.constant 0 : index
    %get3A_192 = vector.load %arg0[%get3A_190, %get3A_191] : memref<4096x50xi32, #tpu.memory_space<vmem>>, vector<64x50xi32>
    %shift_left3A_193 = arith.constant 0 : i32
    %shift_left3A_194 = vector.broadcast %shift_left3A_193 : i32 to vector<64x50xi32>
    %shift_left3A_195 = arith.shli %get3A_192, %shift_left3A_194 : vector<64x50xi32>
    %get3A_196 = arith.constant 192 : index
    %get3A_197 = arith.constant 0 : index
    %get3A_198 = vector.load %arg0[%get3A_196, %get3A_197] : memref<4096x50xi32, #tpu.memory_space<vmem>>, vector<64x50xi32>
    %shift_left3A_199 = arith.constant 1 : i32
    %shift_left3A_200 = vector.broadcast %shift_left3A_199 : i32 to vector<64x50xi32>
    %shift_left3A_201 = arith.shli %get3A_198, %shift_left3A_200 : vector<64x50xi32>
    %get3A_202 = arith.constant 320 : index
    %get3A_203 = arith.constant 0 : index
    %get3A_204 = vector.load %arg0[%get3A_202, %get3A_203] : memref<4096x50xi32, #tpu.memory_space<vmem>>, vector<64x50xi32>
    %shift_left3A_205 = arith.constant 2 : i32
    %shift_left3A_206 = vector.broadcast %shift_left3A_205 : i32 to vector<64x50xi32>
    %shift_left3A_207 = arith.shli %get3A_204, %shift_left3A_206 : vector<64x50xi32>
    %get3A_208 = arith.constant 448 : index
    %get3A_209 = arith.constant 0 : index
    %get3A_210 = vector.load %arg0[%get3A_208, %get3A_209] : memref<4096x50xi32, #tpu.memory_space<vmem>>, vector<64x50xi32>
    %shift_left3A_211 = arith.constant 3 : i32
    %shift_left3A_212 = vector.broadcast %shift_left3A_211 : i32 to vector<64x50xi32>
    %shift_left3A_213 = arith.shli %get3A_210, %shift_left3A_212 : vector<64x50xi32>
    %get3A_214 = arith.constant 576 : index
    %get3A_215 = arith.constant 0 : index
    %get3A_216 = vector.load %arg0[%get3A_214, %get3A_215] : memref<4096x50xi32, #tpu.memory_space<vmem>>, vector<64x50xi32>
    %shift_left3A_217 = arith.constant 4 : i32
    %shift_left3A_218 = vector.broadcast %shift_left3A_217 : i32 to vector<64x50xi32>
    %shift_left3A_219 = arith.shli %get3A_216, %shift_left3A_218 : vector<64x50xi32>
    %get3A_220 = arith.constant 704 : index
    %get3A_221 = arith.constant 0 : index
    %get3A_222 = vector.load %arg0[%get3A_220, %get3A_221] : memref<4096x50xi32, #tpu.memory_space<vmem>>, vector<64x50xi32>
    %shift_left3A_223 = arith.constant 5 : i32
    %shift_left3A_224 = vector.broadcast %shift_left3A_223 : i32 to vector<64x50xi32>
    %shift_left3A_225 = arith.shli %get3A_222, %shift_left3A_224 : vector<64x50xi32>
    %get3A_226 = arith.constant 832 : index
    %get3A_227 = arith.constant 0 : index
    %get3A_228 = vector.load %arg0[%get3A_226, %get3A_227] : memref<4096x50xi32, #tpu.memory_space<vmem>>, vector<64x50xi32>
    %shift_left3A_229 = arith.constant 6 : i32
    %shift_left3A_230 = vector.broadcast %shift_left3A_229 : i32 to vector<64x50xi32>
    %shift_left3A_231 = arith.shli %get3A_228, %shift_left3A_230 : vector<64x50xi32>
    %get3A_232 = arith.constant 960 : index
    %get3A_233 = arith.constant 0 : index
    %get3A_234 = vector.load %arg0[%get3A_232, %get3A_233] : memref<4096x50xi32, #tpu.memory_space<vmem>>, vector<64x50xi32>
    %shift_left3A_235 = arith.constant 7 : i32
    %shift_left3A_236 = vector.broadcast %shift_left3A_235 : i32 to vector<64x50xi32>
    %shift_left3A_237 = arith.shli %get3A_234, %shift_left3A_236 : vector<64x50xi32>
    %get3A_238 = arith.constant 1088 : index
    %get3A_239 = arith.constant 0 : index
    %get3A_240 = vector.load %arg0[%get3A_238, %get3A_239] : memref<4096x50xi32, #tpu.memory_space<vmem>>, vector<64x50xi32>
    %shift_left3A_241 = arith.constant 8 : i32
    %shift_left3A_242 = vector.broadcast %shift_left3A_241 : i32 to vector<64x50xi32>
    %shift_left3A_243 = arith.shli %get3A_240, %shift_left3A_242 : vector<64x50xi32>
    %get3A_244 = arith.constant 1216 : index
    %get3A_245 = arith.constant 0 : index
    %get3A_246 = vector.load %arg0[%get3A_244, %get3A_245] : memref<4096x50xi32, #tpu.memory_space<vmem>>, vector<64x50xi32>
    %shift_left3A_247 = arith.constant 9 : i32
    %shift_left3A_248 = vector.broadcast %shift_left3A_247 : i32 to vector<64x50xi32>
    %shift_left3A_249 = arith.shli %get3A_246, %shift_left3A_248 : vector<64x50xi32>
    %get3A_250 = arith.constant 1344 : index
    %get3A_251 = arith.constant 0 : index
    %get3A_252 = vector.load %arg0[%get3A_250, %get3A_251] : memref<4096x50xi32, #tpu.memory_space<vmem>>, vector<64x50xi32>
    %shift_left3A_253 = arith.constant 10 : i32
    %shift_left3A_254 = vector.broadcast %shift_left3A_253 : i32 to vector<64x50xi32>
    %shift_left3A_255 = arith.shli %get3A_252, %shift_left3A_254 : vector<64x50xi32>
    %get3A_256 = arith.constant 1472 : index
    %get3A_257 = arith.constant 0 : index
    %get3A_258 = vector.load %arg0[%get3A_256, %get3A_257] : memref<4096x50xi32, #tpu.memory_space<vmem>>, vector<64x50xi32>
    %shift_left3A_259 = arith.constant 11 : i32
    %shift_left3A_260 = vector.broadcast %shift_left3A_259 : i32 to vector<64x50xi32>
    %shift_left3A_261 = arith.shli %get3A_258, %shift_left3A_260 : vector<64x50xi32>
    %get3A_262 = arith.constant 1600 : index
    %get3A_263 = arith.constant 0 : index
    %get3A_264 = vector.load %arg0[%get3A_262, %get3A_263] : memref<4096x50xi32, #tpu.memory_space<vmem>>, vector<64x50xi32>
    %shift_left3A_265 = arith.constant 12 : i32
    %shift_left3A_266 = vector.broadcast %shift_left3A_265 : i32 to vector<64x50xi32>
    %shift_left3A_267 = arith.shli %get3A_264, %shift_left3A_266 : vector<64x50xi32>
    %get3A_268 = arith.constant 1728 : index
    %get3A_269 = arith.constant 0 : index
    %get3A_270 = vector.load %arg0[%get3A_268, %get3A_269] : memref<4096x50xi32, #tpu.memory_space<vmem>>, vector<64x50xi32>
    %shift_left3A_271 = arith.constant 13 : i32
    %shift_left3A_272 = vector.broadcast %shift_left3A_271 : i32 to vector<64x50xi32>
    %shift_left3A_273 = arith.shli %get3A_270, %shift_left3A_272 : vector<64x50xi32>
    %get3A_274 = arith.constant 1856 : index
    %get3A_275 = arith.constant 0 : index
    %get3A_276 = vector.load %arg0[%get3A_274, %get3A_275] : memref<4096x50xi32, #tpu.memory_space<vmem>>, vector<64x50xi32>
    %shift_left3A_277 = arith.constant 14 : i32
    %shift_left3A_278 = vector.broadcast %shift_left3A_277 : i32 to vector<64x50xi32>
    %shift_left3A_279 = arith.shli %get3A_276, %shift_left3A_278 : vector<64x50xi32>
    %get3A_280 = arith.constant 1984 : index
    %get3A_281 = arith.constant 0 : index
    %get3A_282 = vector.load %arg0[%get3A_280, %get3A_281] : memref<4096x50xi32, #tpu.memory_space<vmem>>, vector<64x50xi32>
    %shift_left3A_283 = arith.constant 15 : i32
    %shift_left3A_284 = vector.broadcast %shift_left3A_283 : i32 to vector<64x50xi32>
    %shift_left3A_285 = arith.shli %get3A_282, %shift_left3A_284 : vector<64x50xi32>
    %get3A_286 = arith.constant 2112 : index
    %get3A_287 = arith.constant 0 : index
    %get3A_288 = vector.load %arg0[%get3A_286, %get3A_287] : memref<4096x50xi32, #tpu.memory_space<vmem>>, vector<64x50xi32>
    %shift_left3A_289 = arith.constant 16 : i32
    %shift_left3A_290 = vector.broadcast %shift_left3A_289 : i32 to vector<64x50xi32>
    %shift_left3A_291 = arith.shli %get3A_288, %shift_left3A_290 : vector<64x50xi32>
    %get3A_292 = arith.constant 2240 : index
    %get3A_293 = arith.constant 0 : index
    %get3A_294 = vector.load %arg0[%get3A_292, %get3A_293] : memref<4096x50xi32, #tpu.memory_space<vmem>>, vector<64x50xi32>
    %shift_left3A_295 = arith.constant 17 : i32
    %shift_left3A_296 = vector.broadcast %shift_left3A_295 : i32 to vector<64x50xi32>
    %shift_left3A_297 = arith.shli %get3A_294, %shift_left3A_296 : vector<64x50xi32>
    %get3A_298 = arith.constant 2368 : index
    %get3A_299 = arith.constant 0 : index
    %get3A_300 = vector.load %arg0[%get3A_298, %get3A_299] : memref<4096x50xi32, #tpu.memory_space<vmem>>, vector<64x50xi32>
    %shift_left3A_301 = arith.constant 18 : i32
    %shift_left3A_302 = vector.broadcast %shift_left3A_301 : i32 to vector<64x50xi32>
    %shift_left3A_303 = arith.shli %get3A_300, %shift_left3A_302 : vector<64x50xi32>
    %get3A_304 = arith.constant 2496 : index
    %get3A_305 = arith.constant 0 : index
    %get3A_306 = vector.load %arg0[%get3A_304, %get3A_305] : memref<4096x50xi32, #tpu.memory_space<vmem>>, vector<64x50xi32>
    %shift_left3A_307 = arith.constant 19 : i32
    %shift_left3A_308 = vector.broadcast %shift_left3A_307 : i32 to vector<64x50xi32>
    %shift_left3A_309 = arith.shli %get3A_306, %shift_left3A_308 : vector<64x50xi32>
    %get3A_310 = arith.constant 2624 : index
    %get3A_311 = arith.constant 0 : index
    %get3A_312 = vector.load %arg0[%get3A_310, %get3A_311] : memref<4096x50xi32, #tpu.memory_space<vmem>>, vector<64x50xi32>
    %shift_left3A_313 = arith.constant 20 : i32
    %shift_left3A_314 = vector.broadcast %shift_left3A_313 : i32 to vector<64x50xi32>
    %shift_left3A_315 = arith.shli %get3A_312, %shift_left3A_314 : vector<64x50xi32>
    %get3A_316 = arith.constant 2752 : index
    %get3A_317 = arith.constant 0 : index
    %get3A_318 = vector.load %arg0[%get3A_316, %get3A_317] : memref<4096x50xi32, #tpu.memory_space<vmem>>, vector<64x50xi32>
    %shift_left3A_319 = arith.constant 21 : i32
    %shift_left3A_320 = vector.broadcast %shift_left3A_319 : i32 to vector<64x50xi32>
    %shift_left3A_321 = arith.shli %get3A_318, %shift_left3A_320 : vector<64x50xi32>
    %get3A_322 = arith.constant 2880 : index
    %get3A_323 = arith.constant 0 : index
    %get3A_324 = vector.load %arg0[%get3A_322, %get3A_323] : memref<4096x50xi32, #tpu.memory_space<vmem>>, vector<64x50xi32>
    %shift_left3A_325 = arith.constant 22 : i32
    %shift_left3A_326 = vector.broadcast %shift_left3A_325 : i32 to vector<64x50xi32>
    %shift_left3A_327 = arith.shli %get3A_324, %shift_left3A_326 : vector<64x50xi32>
    %get3A_328 = arith.constant 3008 : index
    %get3A_329 = arith.constant 0 : index
    %get3A_330 = vector.load %arg0[%get3A_328, %get3A_329] : memref<4096x50xi32, #tpu.memory_space<vmem>>, vector<64x50xi32>
    %shift_left3A_331 = arith.constant 23 : i32
    %shift_left3A_332 = vector.broadcast %shift_left3A_331 : i32 to vector<64x50xi32>
    %shift_left3A_333 = arith.shli %get3A_330, %shift_left3A_332 : vector<64x50xi32>
    %get3A_334 = arith.constant 3136 : index
    %get3A_335 = arith.constant 0 : index
    %get3A_336 = vector.load %arg0[%get3A_334, %get3A_335] : memref<4096x50xi32, #tpu.memory_space<vmem>>, vector<64x50xi32>
    %shift_left3A_337 = arith.constant 24 : i32
    %shift_left3A_338 = vector.broadcast %shift_left3A_337 : i32 to vector<64x50xi32>
    %shift_left3A_339 = arith.shli %get3A_336, %shift_left3A_338 : vector<64x50xi32>
    %get3A_340 = arith.constant 3264 : index
    %get3A_341 = arith.constant 0 : index
    %get3A_342 = vector.load %arg0[%get3A_340, %get3A_341] : memref<4096x50xi32, #tpu.memory_space<vmem>>, vector<64x50xi32>
    %shift_left3A_343 = arith.constant 25 : i32
    %shift_left3A_344 = vector.broadcast %shift_left3A_343 : i32 to vector<64x50xi32>
    %shift_left3A_345 = arith.shli %get3A_342, %shift_left3A_344 : vector<64x50xi32>
    %get3A_346 = arith.constant 3392 : index
    %get3A_347 = arith.constant 0 : index
    %get3A_348 = vector.load %arg0[%get3A_346, %get3A_347] : memref<4096x50xi32, #tpu.memory_space<vmem>>, vector<64x50xi32>
    %shift_left3A_349 = arith.constant 26 : i32
    %shift_left3A_350 = vector.broadcast %shift_left3A_349 : i32 to vector<64x50xi32>
    %shift_left3A_351 = arith.shli %get3A_348, %shift_left3A_350 : vector<64x50xi32>
    %get3A_352 = arith.constant 3520 : index
    %get3A_353 = arith.constant 0 : index
    %get3A_354 = vector.load %arg0[%get3A_352, %get3A_353] : memref<4096x50xi32, #tpu.memory_space<vmem>>, vector<64x50xi32>
    %shift_left3A_355 = arith.constant 27 : i32
    %shift_left3A_356 = vector.broadcast %shift_left3A_355 : i32 to vector<64x50xi32>
    %shift_left3A_357 = arith.shli %get3A_354, %shift_left3A_356 : vector<64x50xi32>
    %get3A_358 = arith.constant 3648 : index
    %get3A_359 = arith.constant 0 : index
    %get3A_360 = vector.load %arg0[%get3A_358, %get3A_359] : memref<4096x50xi32, #tpu.memory_space<vmem>>, vector<64x50xi32>
    %shift_left3A_361 = arith.constant 28 : i32
    %shift_left3A_362 = vector.broadcast %shift_left3A_361 : i32 to vector<64x50xi32>
    %shift_left3A_363 = arith.shli %get3A_360, %shift_left3A_362 : vector<64x50xi32>
    %get3A_364 = arith.constant 3776 : index
    %get3A_365 = arith.constant 0 : index
    %get3A_366 = vector.load %arg0[%get3A_364, %get3A_365] : memref<4096x50xi32, #tpu.memory_space<vmem>>, vector<64x50xi32>
    %shift_left3A_367 = arith.constant 29 : i32
    %shift_left3A_368 = vector.broadcast %shift_left3A_367 : i32 to vector<64x50xi32>
    %shift_left3A_369 = arith.shli %get3A_366, %shift_left3A_368 : vector<64x50xi32>
    %get3A_370 = arith.constant 3904 : index
    %get3A_371 = arith.constant 0 : index
    %get3A_372 = vector.load %arg0[%get3A_370, %get3A_371] : memref<4096x50xi32, #tpu.memory_space<vmem>>, vector<64x50xi32>
    %shift_left3A_373 = arith.constant 30 : i32
    %shift_left3A_374 = vector.broadcast %shift_left3A_373 : i32 to vector<64x50xi32>
    %shift_left3A_375 = arith.shli %get3A_372, %shift_left3A_374 : vector<64x50xi32>
    %get3A_376 = arith.constant 4032 : index
    %get3A_377 = arith.constant 0 : index
    %get3A_378 = vector.load %arg0[%get3A_376, %get3A_377] : memref<4096x50xi32, #tpu.memory_space<vmem>>, vector<64x50xi32>
    %shift_left3A_379 = arith.constant 31 : i32
    %shift_left3A_380 = vector.broadcast %shift_left3A_379 : i32 to vector<64x50xi32>
    %shift_left3A_381 = arith.shli %get3A_378, %shift_left3A_380 : vector<64x50xi32>
    %or3A = arith.ori %shift_left3A_3, %shift_left3A_9 : vector<64x50xi32>
    %or3A_382 = arith.ori %shift_left3A_15, %shift_left3A_21 : vector<64x50xi32>
    %or3A_383 = arith.ori %shift_left3A_27, %shift_left3A_33 : vector<64x50xi32>
    %or3A_384 = arith.ori %shift_left3A_39, %shift_left3A_45 : vector<64x50xi32>
    %or3A_385 = arith.ori %shift_left3A_51, %shift_left3A_57 : vector<64x50xi32>
    %or3A_386 = arith.ori %shift_left3A_63, %shift_left3A_69 : vector<64x50xi32>
    %or3A_387 = arith.ori %shift_left3A_75, %shift_left3A_81 : vector<64x50xi32>
    %or3A_388 = arith.ori %shift_left3A_87, %shift_left3A_93 : vector<64x50xi32>
    %or3A_389 = arith.ori %shift_left3A_99, %shift_left3A_105 : vector<64x50xi32>
    %or3A_390 = arith.ori %shift_left3A_111, %shift_left3A_117 : vector<64x50xi32>
    %or3A_391 = arith.ori %shift_left3A_123, %shift_left3A_129 : vector<64x50xi32>
    %or3A_392 = arith.ori %shift_left3A_135, %shift_left3A_141 : vector<64x50xi32>
    %or3A_393 = arith.ori %shift_left3A_147, %shift_left3A_153 : vector<64x50xi32>
    %or3A_394 = arith.ori %shift_left3A_159, %shift_left3A_165 : vector<64x50xi32>
    %or3A_395 = arith.ori %shift_left3A_171, %shift_left3A_177 : vector<64x50xi32>
    %or3A_396 = arith.ori %shift_left3A_183, %shift_left3A_189 : vector<64x50xi32>
    %or3A_397 = arith.ori %shift_left3A_195, %shift_left3A_201 : vector<64x50xi32>
    %or3A_398 = arith.ori %shift_left3A_207, %shift_left3A_213 : vector<64x50xi32>
    %or3A_399 = arith.ori %shift_left3A_219, %shift_left3A_225 : vector<64x50xi32>
    %or3A_400 = arith.ori %shift_left3A_231, %shift_left3A_237 : vector<64x50xi32>
    %or3A_401 = arith.ori %shift_left3A_243, %shift_left3A_249 : vector<64x50xi32>
    %or3A_402 = arith.ori %shift_left3A_255, %shift_left3A_261 : vector<64x50xi32>
    %or3A_403 = arith.ori %shift_left3A_267, %shift_left3A_273 : vector<64x50xi32>
    %or3A_404 = arith.ori %shift_left3A_279, %shift_left3A_285 : vector<64x50xi32>
    %or3A_405 = arith.ori %shift_left3A_291, %shift_left3A_297 : vector<64x50xi32>
    %or3A_406 = arith.ori %shift_left3A_303, %shift_left3A_309 : vector<64x50xi32>
    %or3A_407 = arith.ori %shift_left3A_315, %shift_left3A_321 : vector<64x50xi32>
    %or3A_408 = arith.ori %shift_left3A_327, %shift_left3A_333 : vector<64x50xi32>
    %or3A_409 = arith.ori %shift_left3A_339, %shift_left3A_345 : vector<64x50xi32>
    %or3A_410 = arith.ori %shift_left3A_351, %shift_left3A_357 : vector<64x50xi32>
    %or3A_411 = arith.ori %shift_left3A_363, %shift_left3A_369 : vector<64x50xi32>
    %or3A_412 = arith.ori %shift_left3A_375, %shift_left3A_381 : vector<64x50xi32>
    %or3A_413 = arith.ori %or3A, %or3A_382 : vector<64x50xi32>
    %or3A_414 = arith.ori %or3A_383, %or3A_384 : vector<64x50xi32>
    %or3A_415 = arith.ori %or3A_385, %or3A_386 : vector<64x50xi32>
    %or3A_416 = arith.ori %or3A_387, %or3A_388 : vector<64x50xi32>
    %or3A_417 = arith.ori %or3A_389, %or3A_390 : vector<64x50xi32>
    %or3A_418 = arith.ori %or3A_391, %or3A_392 : vector<64x50xi32>
    %or3A_419 = arith.ori %or3A_393, %or3A_394 : vector<64x50xi32>
    %or3A_420 = arith.ori %or3A_395, %or3A_396 : vector<64x50xi32>
    %or3A_421 = arith.ori %or3A_397, %or3A_398 : vector<64x50xi32>
    %or3A_422 = arith.ori %or3A_399, %or3A_400 : vector<64x50xi32>
    %or3A_423 = arith.ori %or3A_401, %or3A_402 : vector<64x50xi32>
    %or3A_424 = arith.ori %or3A_403, %or3A_404 : vector<64x50xi32>
    %or3A_425 = arith.ori %or3A_405, %or3A_406 : vector<64x50xi32>
    %or3A_426 = arith.ori %or3A_407, %or3A_408 : vector<64x50xi32>
    %or3A_427 = arith.ori %or3A_409, %or3A_410 : vector<64x50xi32>
    %or3A_428 = arith.ori %or3A_411, %or3A_412 : vector<64x50xi32>
    %or3A_429 = arith.ori %or3A_413, %or3A_414 : vector<64x50xi32>
    %or3A_430 = arith.ori %or3A_415, %or3A_416 : vector<64x50xi32>
    %or3A_431 = arith.ori %or3A_417, %or3A_418 : vector<64x50xi32>
    %or3A_432 = arith.ori %or3A_419, %or3A_420 : vector<64x50xi32>
    %or3A_433 = arith.ori %or3A_421, %or3A_422 : vector<64x50xi32>
    %or3A_434 = arith.ori %or3A_423, %or3A_424 : vector<64x50xi32>
    %or3A_435 = arith.ori %or3A_425, %or3A_426 : vector<64x50xi32>
    %or3A_436 = arith.ori %or3A_427, %or3A_428 : vector<64x50xi32>
    %or3A_437 = arith.ori %or3A_429, %or3A_430 : vector<64x50xi32>
    %or3A_438 = arith.ori %or3A_431, %or3A_432 : vector<64x50xi32>
    %or3A_439 = arith.ori %or3A_433, %or3A_434 : vector<64x50xi32>
    %or3A_440 = arith.ori %or3A_435, %or3A_436 : vector<64x50xi32>
    %or3A_441 = arith.ori %or3A_437, %or3A_438 : vector<64x50xi32>
    %or3A_442 = arith.ori %or3A_439, %or3A_440 : vector<64x50xi32>
    %swap3A = arith.constant 0 : index
    %swap3A_443 = arith.constant 0 : index
    %swap3A_444 = vector.load %arg1[%swap3A, %swap3A_443] : memref<64x128xi32, #tpu.memory_space<vmem>>, vector<64x50xi32>
    tpu.vector_store %arg1[%swap3A, %swap3A_443], %or3A_441 {strides = array<i32>} : memref<64x128xi32, #tpu.memory_space<vmem>>, vector<64x50xi32>,
    %broadcast_in_dim3A = arith.constant 0 : i32
    %broadcast_in_dim3A_445 = vector.broadcast %broadcast_in_dim3A : i32 to vector<64x14xi32>
    %swap3A_446 = arith.constant 0 : index
    %swap3A_447 = arith.constant 50 : index
    %swap3A_448 = vector.load %arg1[%swap3A_446, %swap3A_447] : memref<64x128xi32, #tpu.memory_space<vmem>>, vector<64x14xi32>
    tpu.vector_store %arg1[%swap3A_446, %swap3A_447], %broadcast_in_dim3A_445 {strides = array<i32>} : memref<64x128xi32, #tpu.memory_space<vmem>>, vector<64x14xi32>,
    %swap3A_449 = arith.constant 0 : index
    %swap3A_450 = arith.constant 64 : index
    %swap3A_451 = vector.load %arg1[%swap3A_449, %swap3A_450] : memref<64x128xi32, #tpu.memory_space<vmem>>, vector<64x50xi32>
    tpu.vector_store %arg1[%swap3A_449, %swap3A_450], %or3A_442 {strides = array<i32>} : memref<64x128xi32, #tpu.memory_space<vmem>>, vector<64x50xi32>,
    %broadcast_in_dim3A_452 = arith.constant 0 : i32
    %broadcast_in_dim3A_453 = vector.broadcast %broadcast_in_dim3A_452 : i32 to vector<64x14xi32>
    %swap3A_454 = arith.constant 0 : index
    %swap3A_455 = arith.constant 114 : index
    %swap3A_456 = vector.load %arg1[%swap3A_454, %swap3A_455] : memref<64x128xi32, #tpu.memory_space<vmem>>, vector<64x14xi32>
    tpu.vector_store %arg1[%swap3A_454, %swap3A_455], %broadcast_in_dim3A_453 {strides = array<i32>} : memref<64x128xi32, #tpu.memory_space<vmem>>, vector<64x14xi32>,
    return
  }
}

</mosaic_0001>

<sc_bundles>
// kernel: kernel.6.cloned.1.call-start
scs
__scs_entry_jumppad:
0x0: {  	(pc) =	sbr.rel $0x88, $3  }
0x1: {  	(tag) =	ssettag $0x0;
	lr =	simm.s32 $0x1  }
0x2: {  	[smem:$0x3F9D] =	sst lr;
	_ =	strace $0xD0000000  }
0x3: {  	_ = 	snop  }
0x4: {  	_ = 	snop  }
0x5: {  	_ = 	snop  }
0x6: {  	_ = 	snop  }
0x7: {  	_ = 	snop  }
__scs_overlays_trampoline_lowered:
0x8: {  	[smem:$0x3FAC] =	sst s0  }
0x9: {  	[smem:$0x3FAD] =	sst s1  }
0xa: {  	[smem:$0x3FAE] =	sst s2  }
0xb: {  	[smem:$0x3FAF] =	sst s3  }
0xc: {  	[smem:$0x3FB0] =	sst s4  }
0xd: {  	[smem:$0x3FB1] =	sst s5  }
0xe: {  	[smem:$0x3FB2] =	sst s6  }
0xf: {  	[smem:$0x3FB3] =	sst s7  }
0x10: {  	[smem:$0x3FB4] =	sst s8  }
0x11: {  	[smem:$0x3FB5] =	sst s9;
	s0 =	simm.s32 @!p0 $0x0  }
0x12: {  	s1 =	sld [smem:$0x3F9B];
	s0 =	simm.s32 @p0 $0x1  }
0x13: {  	[smem:$0x3FB6] =	sst s0;
	s0 =	simm.s32 @!p1 $0x0  }
0x14: {  	s2 =	sld [smem:$0x3F9A];
	s0 =	simm.s32 @p1 $0x1  }
0x15: {  	[smem:$0x3FB7] =	sst s0;
	s0 =	simm.s32 @!p2 $0x0  }
0x16: {  	s3 =	sld [smem:$0x3FDB];
	s0 =	simm.s32 @p2 $0x1  }
0x17: {  	s4 =	simm.s32 $0x1BF5;
	[smem:$0x3FB9] =	sst s0  }
0x18: {  	s0 =	sld [smem:$0x3F9C];
	_ =	swait.ge [sflag:s4], $0x0  }
0x19: {  	s7 =	sld [smem:$0x3F9D]  }
0x1a: {  	s8 =	sadd.s32 $0xFFFFE003, lr  }
0x1b: {  	s9 =	sadd.s32 $0xFFFFFEF7, lr;
	s5 =	simm.s32 $0xFFFFFFFF;
	p2 =	slt.u32 s8, $0xFFFFF086  }
0x1c: {  	p1 =	slt.u32 s9, $0xF7A;
	s5 =	simm.s32 @!p2 $0x0  }
0x1d: {  	s5 =	simm.s32 @p1 $0x1;
	p0 =	seq.s32 s7, s2  }
0x1e: {  	s7 =	smul.u32 @!p0 $0xF7A, s2;
	p2 =	seq.s32 @!p0 s5, $0x0  }
0x1f: {  	s9 =	smul.u32 $0xF7A, s1;
	s8 =	simm.s32 @!p0 $0x1BF5;
	p2 =	por !p2, p0  }
0x20: {  	[sflag:s8] =	ssyncset.s32 @!p0 $0xFFFFF086;
	s6 =	sadd.s32 @!p0 s3, s7;
	s7 =	simm.s32 @!p0 $0x108  }
0x21: {  	s3 =	sadd.s32 s3, s9;
	s6 =	sadd.s32 @!p0 $0x88, s6;
	s7 =	simm.s32 @p2 $0x1082  }
0x22: {  	[simem:s7], [sflag:s8] =	dma.local @!p0 [hbm:s6], $0xF7A  }
0x23: {  	s9 =	sor.u32 $0xD0000000, s2;
	s6 =	simm.s32 $0x108;
	_ =	swait.ge @!p0 [sflag:s8], $0x0  }
0x24: {  	s3 =	sadd.s32 $0x88, s3;
	s6 =	simm.s32 @!p1 $0x1082;
	[sflag:s4] =	ssyncset.s32 $0xFFFFF086  }
0x25: {  	[simem:s6], [sflag:s4] =	dma.local [hbm:s3], $0xF7A  }
0x26: {  	[smem:$0x3F9D] =	sst s1;
	(tag) =	ssettag s2;
	_ =	strace s9  }
0x27: {  	s1 =	sld [smem:$0x3FAD]  }
0x28: {  	s2 =	sld [smem:$0x3FAE]  }
0x29: {  	s4 =	sld [smem:$0x3FB0]  }
0x2a: {  	p0 =	seq.s32 s5, $0x0;
	s5 =	sld [smem:$0x3FB1]  }
0x2b: {  	s6 =	sld [smem:$0x3FB2]  }
0x2c: {  	s7 =	sld [smem:$0x3FB3]  }
0x2d: {  	s3 =	simm.s32 $0x108;
	s8 =	sld [smem:$0x3FB4]  }
0x2e: {  	s3 =	simm.s32 @!p0 $0x1082;
	s9 =	sld [smem:$0x3FB5]  }
0x2f: {  	lr =	sadd.s32 s0, s3;
	s0 =	sld [smem:$0x3FAC]  }
0x30: {  	s3 =	sld [smem:$0x3FAF]  }
0x31: {  	[smem:$0x3FB8] =	sst s10  }
0x32: {  	s10 =	sld [smem:$0x3FB6];
	_ =	sdelay $0x3  }
0x33: {  	p0 =	seq.s32 s10, $0x1;
	s10 =	sld [smem:$0x3FB8];
	_ =	sdelay $0x3  }
0x34: {  	[smem:$0x3FB8] =	sst s10  }
0x35: {  	s10 =	sld [smem:$0x3FB7];
	_ =	sdelay $0x3  }
0x36: {  	p1 =	seq.s32 s10, $0x1;
	s10 =	sld [smem:$0x3FB8];
	_ =	sdelay $0x3  }
0x37: {  	[smem:$0x3FB8] =	sst s10  }
0x38: {  	s10 =	sld [smem:$0x3FB9]  }
0x39: {  	_ = 	snop;
	(pc) =	sbr.ind lr, $3  }
0x3a: {  	_ = 	snop  }
0x3b: {  	_ = 	snop  }
0x3c: {  	p2 =	seq.s32 s10, $0x1;
	s10 =	sld [smem:$0x3FB8]  }
0x3d: {  	_ =	shalt  }
0x3e: {  	_ =	shalt  }
0x3f: {  	_ =	shalt  }
0x40: {  	_ =	shalt  }
0x41: {  	_ =	shalt  }
0x42: {  	_ =	shalt  }
0x43: {  	_ =	shalt  }
0x44: {  	_ =	shalt  }
0x45: {  	_ =	shalt  }
0x46: {  	_ =	shalt  }
0x47: {  	_ =	shalt  }
0x48: {  	_ =	shalt  }
0x49: {  	_ =	shalt  }
0x4a: {  	_ =	shalt  }
0x4b: {  	_ =	shalt  }
0x4c: {  	_ =	shalt  }
0x4d: {  	_ =	shalt  }
0x4e: {  	_ =	shalt  }
0x4f: {  	_ =	shalt  }
0x50: {  	_ =	shalt  }
0x51: {  	_ =	shalt  }
0x52: {  	_ =	shalt  }
0x53: {  	_ =	shalt  }
0x54: {  	_ =	shalt  }
0x55: {  	_ =	shalt  }
0x56: {  	_ =	shalt  }
0x57: {  	_ =	shalt  }
0x58: {  	_ =	shalt  }
0x59: {  	_ =	shalt  }
0x5a: {  	_ =	shalt  }
0x5b: {  	_ =	shalt  }
0x5c: {  	_ =	shalt  }
0x5d: {  	_ =	shalt  }
0x5e: {  	_ =	shalt  }
0x5f: {  	_ =	shalt  }
0x60: {  	_ =	shalt  }
0x61: {  	_ =	shalt  }
0x62: {  	_ =	shalt  }
0x63: {  	_ =	shalt  }
0x64: {  	_ =	shalt  }
0x65: {  	_ =	shalt  }
0x66: {  	_ =	shalt  }
0x67: {  	_ =	shalt  }
0x68: {  	_ =	shalt  }
0x69: {  	_ =	shalt  }
0x6a: {  	_ =	shalt  }
0x6b: {  	_ =	shalt  }
0x6c: {  	_ =	shalt  }
0x6d: {  	_ =	shalt  }
0x6e: {  	_ =	shalt  }
0x6f: {  	_ =	shalt  }
0x70: {  	_ =	shalt  }
0x71: {  	_ =	shalt  }
0x72: {  	_ =	shalt  }
0x73: {  	_ =	shalt  }
0x74: {  	_ =	shalt  }
0x75: {  	_ =	shalt  }
0x76: {  	_ =	shalt  }
0x77: {  	_ =	shalt  }
0x78: {  	_ =	shalt  }
0x79: {  	_ =	shalt  }
0x7a: {  	_ =	shalt  }
0x7b: {  	_ =	shalt  }
0x7c: {  	_ =	shalt  }
0x7d: {  	_ =	shalt  }
0x7e: {  	_ =	shalt  }
0x7f: {  	_ =	shalt  }
0x80: {  	_ =	shalt  }
0x81: {  	_ =	shalt  }
0x82: {  	_ =	shalt  }
0x83: {  	_ =	shalt  }
0x84: {  	_ =	shalt  }
0x85: {  	_ =	shalt  }
0x86: {  	_ =	shalt  }
0x87: {  	_ =	shalt  }
.Lfunc_end0:
.L_simem_size_0:
called_computation_lowered:
.L_overlay_start_0:
0x88: {  	s2 =	sld [smem:$0x3FD9]  }
0x89: {  	s3 =	sld [smem:$0x3FFE];
	_ =	sdelay $0x1  }
0x8a: {  	s1 =	srdreg.scid  }
0x8b: {  	s0 =	sand.u32 $0x1, s1  }
0x8c: {  	s17 =	sshll.u32 s0, $0xA;
	s2 =	sadd.s32 s3, s2  }
0x8d: {  	s2 =	sadd.s32 s2, s17  }
0x8e: {  	[smem:$0x3FC4] =	sst s2  }
0x8f: {  	_ = 	snop  }
0x90: {  	s2 =	sld [smem:$0x3FC9]  }
0x91: {  	s18 =	sld [smem:$0x3FC7]  }
0x92: {  	s4 =	sld [smem:$0x3FC6];
	(tm) =	ssettm $0x1  }
0x93: {  	s5 =	sld [smem:$0x3FFB];
	_ =	sdelay $0x3  }
0x94: {  	_ =	strace s5  }
0x95: {  	s5 =	sld [smem:$0x3FFC];
	_ =	sdelay $0x3  }
0x96: {  	_ =	strace s5  }
0x97: {  	s5 =	sld [smem:$0x3FFD];
	_ =	sdelay $0x3  }
0x98: {  	_ =	strace s5  }
0x99: {  	_ =	strace $0x8FFFFFFF  }
0x9a: {  	s19 =	sld [smem:$0x3FDB];
	_ =	sdelay $0x1  }
0x9b: {  	s6 =	simm.s32 $_scs_section_size  }
0x9c: {  	s7 =	simm.s32 $_size__tile_overlayer_lowered;
	s8 =	simm.s32 $_tile_overlayer_lowered  }
0x9d: {  	s22 =	simm.s32 $0x1BFF;
	s21 =	sshll.u32 s8, $0x1;
	s5 =	sadd.s32 s6, s19  }
0x9e: {  	s9 =	simm.s32 $0x0;
	s20 =	sshll.u32 s7, $0x1;
	s7 =	sadd.s32 s21, s5  }
0x9f: {  	[timem:s9], [sflag:s22] =	dma.local [hbm:s7], s20  }
0xa0: {  	_ =	swait.ge [sflag:s22], s20  }
0xa1: {  	s6 =	ssub.s32 $0x0, s20;
	[sflag:s22] =	ssyncset.done $0x0  }
0xa2: {  	[sflag:s22] =	ssyncadd.s32 s6;
	_ =	sdelay $0x1  }
0xa3: {  	s23 =	simm.s32 $0x1B8B  }
0xa4: {  	_ =	swait.ge [sflag:s23], $0x1  }
0xa5: {  	[sflag:s23] =	ssyncset.done $0x0  }
0xa6: {  	s25 =	simm.s32 $0x1B8E;
	s24 =	sld [smem:$0x3FFE];
	[sflag:s23] =	ssyncadd.s32 $0xFFFFFFFF  }
0xa7: {  	s26 =	simm.s32 $execute0_lowered;
	[smem:$0x3FD2] =	sst s25  }
0xa8: {  	s7 =	sshll.u32 s26, $0x1;
	_ =	strace $0x80000046;
	[dreg:$0x1] =	wrdreg $0xFFFFFFFF  }
0xa9: {  	s28 =	simm.s32 $_size_execute0_lowered;
	s5 =	sadd.s32 s5, s7;
	[dreg:$0x0] =	wrdreg $0x0  }
0xaa: {  	s7 =	sshll.u32 s28, $0x1;
	[dreg:$0x2] =	wrdreg s5  }
0xab: {  	[dreg:$0x3] =	wrdreg s7  }
0xac: {  	[dreg:$0x4] =	wrdreg $0xC0  }
0xad: {  	_ =	task [dreg:s9], $0x5FFFF  }
0xae: {  	[dreg:$0x1] =	wrdreg $0xFFFFFFFF  }
0xaf: {  	[dreg:$0x0] =	wrdreg $0x60  }
0xb0: {  	[dreg:$0x2] =	wrdreg s2  }
0xb1: {  	[dreg:$0x3] =	wrdreg s18  }
0xb2: {  	[dreg:$0x4] =	wrdreg s4  }
0xb3: {  	[dreg:$0x5] =	wrdreg s24  }
0xb4: {  	[dreg:$0x6] =	wrdreg $0x9  }
0xb5: {  	_ =	task.clear_ibuf [dreg:s9], $0x7FFFF;
	_ =	strace $0x90000046  }
0xb6: {  	s29 =	simm.s32 $0x9;
	_ =	strace $0x8000004B  }
0xb7: {  	_ =	swait.ge [sflag:s29], $0x1  }
0xb8: {  	[sflag:s29] =	ssyncadd.s32 $0xFFFFFFFF  }
0xb9: {  	_ =	strace $0x9000004B  }
0xba: {  	_ =	sfence  }
0xbb: {  	s30 =	sld [smem:$0x0];
	_ =	sdelay $0x2  }
0xbc: {  	s31 =	sshll.u32 s1, $0xD;
	s1 =	sshrl.u32 s1, $0x2  }
0xbd: {  	s3 =	sand.u32 $0x4000, s31;
	s1 =	sadd.s32 s1, s30  }
0xbe: {  	s0 =	sor.u32 s3, s0;
	s1 =	sshll.u32 s1, $0x11  }
0xbf: {  	s0 =	sor.u32 s1, s0  }
0xc0: {  	s0 =	sadd.s32 $0x8F2B, s0  }
0xc1: {  	[sflag:s0] =	ssyncadd.remote.s32 $0x1  }
0xc2: {  	_ =	sfence.sel $0xFFFF  }
0xc3: {  	[dreg:$0x0] =	wrdreg $0xFFFFFFFF;
	(pc) =	sbr.abs _section_cstart, $3  }
0xc4: {  	[dreg:$0x1] =	wrdreg $0xFFFFFFFF  }
0xc5: {  	_ =	task.clear_ibuf [dreg:s9], $0x2FFFF;
	_ =	strace $0x9FFFFFFF  }
0xc6: {  	(tm) =	ssettm $0x7FFFFFFF  }
0xc7: {  	_ =	shalt  }
tec
execute0_lowered:
.L_overlay_start_1:
0x0: {  	(tag) =	ssettag $0x1  }
0x1: {  	s4 =	rddreg [dreg:$0x0]  }
0x2: {  	s5 =	rddreg [dreg:$0x1]  }
0x3: {  	s6 =	rddreg [dreg:$0x2]  }
0x4: {  	s7 =	rddreg [dreg:$0x3]  }
0x5: {  	s0 =	rddreg [dreg:$0x4];
	s2 =	simm.s32 $0x0;
	s8 =	srdreg.scid  }
0x6: {  	s1 =	stileid.u32;
	s14 =	simm.s32 $0x3200;
	s15 =	simm.s32 $0x4B00  }
0x7: {  	s16 =	simm.s32 $0x1;
	s17 =	simm.s32 $0x6B00;
	s18 =	simm.s32 $0x8B00  }
0x8: {  	s19 =	simm.s32 $0xAB00;
	s20 =	simm.s32 $0xCB00;
	s21 =	simm.s32 $0x80  }
0x9: {  	s22 =	simm.s32 $0x400;
	s23 =	simm.s32 $0x2;
	s24 =	simm.s32 $0xEB00  }
0xa: {  	s25 =	simm.s32 $0x0;
	[smem:$0x7FF] =	sst s2;
	s3 =	sadd.s32 $0x1000, s7  }
0xb: {  	s8 =	sand.u32 $0x1, s8;
	s9 =	sshll.u32 s1, $0x1;
	s11 =	sshll.u32 s1, $0xD  }
0xc: {  	_ =	strace $0x80000047;
	s10 =	sshll.u32 s8, $0x6;
	s9 =	sor.u32 s8, s9  }
0xd: {  	s8 =	ssub.s32 $0x2, s8;
	s10 =	sor.u32 s10, s11;
	s31 =	smul.u32 $0x320, s9  }
0xe: {  	s9 =	sshll.u32 s9, $0x4;
	s12 =	sshrl.u32 s8, $0x1;
	s10 =	sadd.s32 s10, s7  }
0xf: {  	s13 =	sadd.s32 s9, s7;
	s12 =	ssub.s32 s8, s12;
	s4 =	sadd.s32 s4, s31  }
0x10: {  	s5 =	sadd.s32 s5, s31;
	s6 =	sadd.s32 s6, s31;
	s7 =	sadd.s32 $0x1400, s10  }
0x11: {  	s8 =	sadd.s32 $0x1410, s10;
	s9 =	sadd.s32 $0x1420, s10;
	s10 =	sadd.s32 $0x1430, s10  }
0x12: {  	v0 =	vimm.f32 $-Inf;
	s11 =	sadd.s32 $0x21400, s13;
	s12 =	smax.u32 s12, $0x1;
	s13 =	simm.s32 $0x1900  }
.LBB2_1:
0x13: {  	[tilespmem:s2], [sflag:$0x1] =	stream.linear.gather [hbm4b:s4+s2], $0x1900, $0x38;
	[tilespmem:$0xEB80] =	vst v63  }
0x14: {  	_ = 	snop  }
0x15: {  	[tilespmem:s13], [sflag:$0x1] =	stream.linear.gather [hbm4b:s5+s2], $0x1900, $0x38;
	[tilespmem:$0xEB80] =	vst v63  }
0x16: {  	_ = 	snop  }
0x17: {  	[tilespmem:s14], [sflag:$0x1] =	stream.linear.gather [hbm4b:s6+s2], $0x1900, $0x38;
	[tilespmem:$0xEB80] =	vst v63  }
0x18: {  	_ = 	snop  }
0x19: {  	[tilespmem:s15], [sflag:$0x1] =	stream.linear.gather [hbm4b:s3+s2], $0x2000, $0x38;
	[tilespmem:$0xEB80] =	vst v63  }
0x1a: {  	s28 =	simm.s32 $0x40;
	s26 =	simm.s32 $0x0;
	_ =	strace $0x80000048  }
.LBB2_2:
0x1b: {  	p0 =	sne.s32 s28, $0x7FC0;
	[tilespmem:s26+$0xCB00] =	vst v0;
	s29 =	smov.u32 s28;
	s28 =	sadd.s32 $0x40, s28  }
.Ltmp0:
0x1c: {  	[tilespmem:s26+$0xAB00] =	vst v0;
	(pc) =	sbr.rel @p0 .LBB2_2-.Ltmp0, $3  }
0x1d: {  	[tilespmem:s26+$0x6B00] =	vst v0  }
0x1e: {  	[tilespmem:s26+$0x8B00] =	vst v0;
	_ =	sdelay $0x1  }
0x1f: {  	s26 =	sshra.s32 s29, $0x2  }
0x20: {  	[tilespmem:s26+$0xCB00] =	vst v0  }
0x21: {  	[tilespmem:s26+$0xAB00] =	vst v0  }
0x22: {  	[tilespmem:s26+$0x6B00] =	vst v0  }
0x23: {  	[tilespmem:s26+$0x8B00] =	vst v0  }
0x24: {  	_ =	strace $0x90000048  }
0x25: {  	_ =	strace $0x80000049  }
0x26: {  	_ =	swait.ge [sflag:s16], $0x1900  }
0x27: {  	[sflag:s16] =	ssyncset.done $0x0  }
0x28: {  	[sflag:s16] =	ssyncadd.s32 $0xFFFFE700  }
0x29: {  	_ =	swait.ge [sflag:s16], $0x1900  }
0x2a: {  	[sflag:s16] =	ssyncset.done $0x0  }
0x2b: {  	[sflag:s16] =	ssyncadd.s32 $0xFFFFE700  }
0x2c: {  	_ =	swait.ge [sflag:s16], $0x1900  }
0x2d: {  	[sflag:s16] =	ssyncset.done $0x0  }
0x2e: {  	v1 =	vimm.f32 $0.0e+00;
	[sflag:s16] =	ssyncadd.s32 $0xFFFFE700  }
0x2f: {  	v2 =	vimm.f32 $0.0e+00;
	v3 =	vimm.f32 $0.0e+00;
	v5 =	vimm.f32 $0.0e+00;
	_ =	swait.ge [sflag:s16], $0x2000  }
0x30: {  	v4 =	vimm.f32 $0.0e+00;
	v6 =	vimm.f32 $0.0e+00;
	v7 =	vimm.f32 $0.0e+00;
	[sflag:s16] =	ssyncset.done $0x0  }
0x31: {  	v9 =	vimm.f32 $0.0e+00;
	v8 =	vimm.f32 $0.0e+00;
	v10 =	vimm.f32 $0.0e+00;
	[sflag:s16] =	ssyncadd.s32 $0xFFFFE000  }
0x32: {  	v12 =	vimm.f32 $0.0e+00;
	v13 =	vimm.f32 $0.0e+00;
	v11 =	vimm.f32 $0.0e+00;
	_ =	strace $0x90000049  }
0x33: {  	s26 =	simm.s32 $0x0;
	v14 =	vimm.f32 $0.0e+00;
	v15 =	vimm.f32 $0.0e+00;
	v16 =	vimm.f32 $0.0e+00;
	_ =	strace $0x8000004A  }
.LBB2_4:
0x34: {  	s28 =	sshra.s32 s26, $0x2  }
0x35: {  	v17 =	vld [tilespmem:s28+$0x1900]  }
0x36: {  	v18 =	vld [tilespmem:s28+$0x1910]  }
0x37: {  	v19 =	vld [tilespmem:s28+$0x1920]  }
0x38: {  	v20 =	vld [tilespmem:s28+$0x3200]  }
0x39: {  	v21 =	vld [tilespmem:s28+$0x3210]  }
0x3a: {  	v22 =	vld [tilespmem:s28+$0x1930]  }
0x3b: {  	v26 =	vld [tilespmem:s28+$0x3220];
	v23 =	vshll.u32 v17, $0x7;
	v24 =	vand.u32 $0x40, v17;
	v25 =	vshll.u32 v18, $0x7  }
0x3c: {  	v36 =	vand.u32 $0x40, v18;
	v38 =	vshll.u32 v19, $0x7;
	v23 =	vand.u32 $0x1F80, v23  }
0x3d: {  	v39 =	vand.u32 $0x40, v19;
	v35 =	vand.u32 $0x1F80, v25;
	v23 =	vor.u32 v23, v24  }
0x3e: {  	v27 =	vld [tilespmem:s28+$0x3230];
	v37 =	vor.u32 v35, v36;
	v20 =	vadd.s32 v20, v23;
	v23 =	vand.u32 $0x1F80, v38  }
0x3f: {  	v21 =	vadd.s32 v21, v37;
	v20 =	vadd.s32 $0xFFFFFFFF, v20;
	v23 =	vor.u32 v23, v39  }
0x40: {  	v40 =	vshll.u32 v22, $0x7;
	v21 =	vadd.s32 $0xFFFFFFFF, v21;
	v23 =	vadd.s32 v26, v23  }
0x41: {  	v42 =	vand.u32 $0x40, v22;
	v41 =	vand.u32 $0x1F80, v40;
	v23 =	vadd.s32 $0xFFFFFFFF, v23  }
0x42: {  	v24 =	vor.u32 v41, v42  }
0x43: {  	v24 =	vadd.s32 v27, v24  }
0x44: {  	v24 =	vadd.s32 $0xFFFFFFFF, v24;
	v20 =	vld.idx.msk [tilespmem:v20+s15+$0x0], $0xffff  }
0x45: {  	v21 =	vld.idx.msk [tilespmem:v21+s15+$0x0], $0xffff  }
0x46: {  	v23 =	vld.idx.msk [tilespmem:v23+s15+$0x0], $0xffff;
	_ =	sdelay $0x1  }
0x47: {  	v43 =	vshrl.u32 v17, $0x7  }
0x48: {  	v44 =	vshrl.u32 v18, $0x7;
	v24 =	vld.idx.msk [tilespmem:v24+s15+$0x0], $0xffff;
	v20 =	vshrl.u32 v20, v43  }
0x49: {  	v45 =	vshrl.u32 v19, $0x7;
	v21 =	vshrl.u32 v21, v44;
	v20 =	vand.u32 $0x1, v20  }
0x4a: {  	v21 =	vand.u32 $0x1, v21;
	v23 =	vshrl.u32 v23, v45;
	v47 =	vcvt.s32.f32 v20  }
0x4b: {  	v48 =	vld [tilespmem:s28+$0x0];
	v49 =	vcvt.s32.f32 v21;
	v23 =	vand.u32 $0x1, v23  }
0x4c: {  	v28 =	vld [tilespmem:s28+$0x10];
	v46 =	vshrl.u32 v22, $0x7;
	v29 =	vcvt.s32.f32 v23;
	v30 =	vadd.f32 v47, v47  }
0x4d: {  	v31 =	vld [tilespmem:s28+$0x20];
	v24 =	vshrl.u32 v24, v46;
	v33 =	vadd.f32 v49, v49  }
0x4e: {  	v24 =	vand.u32 $0x1, v24;
	v30 =	vsub.f32 $1.000000000e+00, v30;
	v35 =	vadd.f32 v29, v29  }
0x4f: {  	v32 =	vcvt.s32.f32 v24;
	v20 =	vshll.u32 v20, $0xC;
	v33 =	vsub.f32 $1.000000000e+00, v33  }
0x50: {  	v34 =	vld [tilespmem:s28+$0x30];
	v21 =	vshll.u32 v21, $0xC;
	v50 =	vmul.f32 v30, v48;
	v51 =	vsub.f32 $1.000000000e+00, v35  }
0x51: {  	v17 =	vadd.s32 v17, v20;
	v36 =	vadd.f32 v32, v32;
	v33 =	vmul.f32 v33, v28  }
0x52: {  	v18 =	vadd.s32 v18, v21;
	v53 =	vshll.u32 v23, $0xC;
	v54 =	vmul.f32 v51, v31;
	(xrf1) =	vsort.ascd.msk.f32 $0xffff, v50, v17  }
0x53: {  	v52 =	vsub.f32 $1.000000000e+00, v36;
	v17 =	vadd.s32 v19, v53;
	(xrf1) =	vsort.ascd.msk.f32 $0xffff, v33, v18  }
0x54: {  	(xrf1) =	vsort.ascd.msk.f32 $0xffff, v54, v17  }
0x55: {  	v55 =	vmul.f32 v52, v34;
	v19 =	vshll.u32 v24, $0xC  }
0x56: {  	v18 =	vadd.s32 v22, v19  }
0x57: {  	(xrf1) =	vsort.ascd.msk.f32 $0xffff, v55, v18;
	_ =	sdelay $0x8  }
0x58: {  	v17, v18, _ =	vpop (xrf1)  }
0x59: {  	v19, v22, _ =	vpop (xrf1)  }
0x5a: {  	v57, v56, _ =	vpop (xrf1);
	_ =	sdelay $0x1  }
0x5b: {  	v59 =	vmul.f32 v47, v48;
	v61 =	vmul.f32 v49, v28;
	v15 =	vadd.f32 v47, v15;
	v37 =	vld.idx.msk [tilespmem:v18+s17+$0x0], $0xffff  }
0x5c: {  	v12 =	vadd.f32 v49, v12;
	v3 =	vadd.f32 v32, v3;
	v58, v36, _ =	vpop (xrf1);
	v38 =	vld.idx.msk [tilespmem:v22+s18+$0x0], $0xffff  }
0x5d: {  	v16 =	vadd.f32 v59, v16;
	v13 =	vadd.f32 v61, v13;
	v39 =	vld.idx.msk [tilespmem:v56+s19+$0x0], $0xffff  }
0x5e: {  	v7 =	vadd.f32 v29, v7;
	v21 =	vsub.f32 $1.000000000e+00, v55  }
0x5f: {  	v20 =	vsub.f32 $1.000000000e+00, v50;
	v33 =	vsub.f32 $1.000000000e+00, v33  }
0x60: {  	v23 =	vsub.f32 $1.000000000e+00, v54;
	v21 =	vmax.f32 v21, $0.0e+00;
	v40 =	vld.idx.msk [tilespmem:v36+s20+$0x0], $0xffff;
	v17 =	vmax.f32 v37, v17  }
0x61: {  	v2 =	vadd.f32 v21, v2;
	v19 =	vmax.f32 v38, v19;
	[tilespmem:v18+s17+$0x0] =	vst.idx.msk $0xffff, v17;
	v17 =	vmax.f32 v20, $0.0e+00  }
0x62: {  	v18 =	vmax.f32 v33, $0.0e+00;
	v24 =	vmax.f32 v39, v57;
	[tilespmem:v22+s18+$0x0] =	vst.idx.msk $0xffff, v19;
	v19 =	vmax.f32 v23, $0.0e+00  }
0x63: {  	p0 =	sne.s32 s26, $0x6300;
	v60 =	vmul.f32 v47, v17;
	v62 =	vmul.f32 v49, v18;
	v14 =	vadd.f32 v17, v14  }
.Ltmp1:
0x64: {  	v17 =	vmul.f32 v29, v31;
	v10 =	vadd.f32 v18, v10;
	v18 =	vmul.f32 v32, v34;
	(pc) =	sbr.rel @p0 .LBB2_4-.Ltmp1, $4  }
0x65: {  	v35 =	vmax.f32 v40, v58;
	v63 =	vmul.f32 v29, v19;
	v6 =	vadd.f32 v19, v6  }
0x66: {  	v11 =	vadd.f32 v60, v11;
	v9 =	vadd.f32 v17, v9;
	v17 =	vmul.f32 v32, v21  }
0x67: {  	[tilespmem:v56+s19+$0x0] =	vst.idx.msk $0xffff, v24;
	v8 =	vadd.f32 v62, v8;
	v5 =	vadd.f32 v18, v5  }
0x68: {  	s26 =	sadd.s32 $0x100, s26;
	[tilespmem:v36+s20+$0x0] =	vst.idx.msk $0xffff, v35;
	v4 =	vadd.f32 v63, v4;
	v1 =	vadd.f32 v17, v1  }
0x69: {  	v13 =	vadd.f32 v13, v16  }
0x6a: {  	v12 =	vadd.f32 v12, v15  }
0x6b: {  	v10 =	vadd.f32 v10, v14;
	v9 =	vadd.f32 v9, v13  }
0x6c: {  	v8 =	vadd.f32 v8, v11;
	v7 =	vadd.f32 v7, v12  }
0x6d: {  	v6 =	vadd.f32 v6, v10;
	v5 =	vadd.f32 v5, v9  }
0x6e: {  	v4 =	vadd.f32 v4, v8;
	v3 =	vadd.f32 v3, v7  }
0x6f: {  	_ =	strace $0x9000004A;
	v2 =	vadd.f32 v2, v6;
	[tilespmem:$0xEB00] =	vst v5  }
0x70: {  	v1 =	vadd.f32 v1, v4;
	[tilespmem:$0xEB10] =	vst v3  }
0x71: {  	[tilespmem:$0xEB20] =	vst v2  }
0x72: {  	[tilespmem:$0xEB30] =	vst v1  }
0x73: {  	[hbm4b:s7+s21] =	stream.strided.scatter [tilespmem:s17], [sflag:$0x2], $0x2000, s22, s21, $0x38;
	[tilespmem:$0xEB80] =	vst v63  }
0x74: {  	_ =	swait.ge [sflag:s23], $0x2000  }
0x75: {  	[sflag:s23] =	ssyncset.done $0x0  }
0x76: {  	[sflag:s23] =	ssyncadd.s32 $0xFFFFE000  }
0x77: {  	[hbm4b:s8+s21] =	stream.strided.scatter [tilespmem:s18], [sflag:$0x2], $0x2000, s22, s21, $0x38;
	[tilespmem:$0xEB80] =	vst v63  }
0x78: {  	_ =	swait.ge [sflag:s23], $0x2000  }
0x79: {  	[sflag:s23] =	ssyncset.done $0x0  }
0x7a: {  	[sflag:s23] =	ssyncadd.s32 $0xFFFFE000  }
0x7b: {  	[hbm4b:s9+s21] =	stream.strided.scatter [tilespmem:s19], [sflag:$0x2], $0x2000, s22, s21, $0x38;
	[tilespmem:$0xEB80] =	vst v63  }
0x7c: {  	_ =	swait.ge [sflag:s23], $0x2000  }
0x7d: {  	[sflag:s23] =	ssyncset.done $0x0  }
0x7e: {  	[sflag:s23] =	ssyncadd.s32 $0xFFFFE000  }
0x7f: {  	[hbm4b:s10+s21] =	stream.strided.scatter [tilespmem:s20], [sflag:$0x2], $0x2000, s22, s21, $0x38;
	[tilespmem:$0xEB80] =	vst v63  }
0x80: {  	s25 =	sadd.s32 $0x1, s25;
	_ =	swait.ge [sflag:s23], $0x2000  }
0x81: {  	p0 =	sne.s32 s25, s12;
	[sflag:s23] =	ssyncset.done $0x0  }
.Ltmp2:
0x82: {  	[sflag:s23] =	ssyncadd.s32 $0xFFFFE000;
	(pc) =	sbr.rel @p0 .LBB2_1-.Ltmp2, $4  }
0x83: {  	[hbm4b:s11+s2] =	stream.linear.scatter [tilespmem:s24], [sflag:$0x2], $0x80, $0x38;
	[tilespmem:$0xEB80] =	vst v63  }
0x84: {  	_ =	swait.ge [sflag:s23], $0x80  }
0x85: {  	[sflag:s23] =	ssyncset.done $0x0  }
0x86: {  	[sflag:s23] =	ssyncadd.s32 $0xFFFFFF80  }
0x87: {  	_ =	sfence.sel $0x180000  }
0x88: {  	[bflag:$0x0] =	sbarrier.arrive $0xFFFF  }
0x89: {  	p0 =	sne.s32 s1, $0x0;
	_ =	strace $0x90000047  }
0x8a: {  	s0 =	sadd.s32 @!p0 $0x100000, s0;
	[bflag:$0x2] =	sbarrier.arrive $0xFFFF  }
0x8b: {  	[sflag:s0] =	ssyncadd.tile.s32 @!p0 $0x1;
	_ =	shalt  }
.Lfunc_end2:
_tile_overlayer_lowered:
.L_overlay_start_2:
0x8c: {  	(tag) =	ssettag $0x2  }
0x8d: {  	s0 =	rddreg [dreg:$0x0];
	s2 =	stileid.u32  }
0x8e: {  	s1 =	rddreg [dreg:$0x1];
	p0 =	sne.s32 s2, $0x0  }
0x8f: {  	s3 =	rddreg [dreg:$0x2];
	[bflag:$0x3] =	sbarrier.arrive $0xFFFF;
	s2 =	simm.s32 @!p0 $0x1C02  }
0x90: {  	[timem:s3], [sflag:s2] =	dma.local @!p0 [hbm:s0], s1  }
0x91: {  	s0 =	simm.s32 @!p0 $0x2  }
0x92: {  	_ =	swait.ge @!p0 [sflag:s0], s1  }
0x93: {  	s1 =	ssub.s32 @!p0 $0x0, s1;
	[sflag:s0] =	ssyncset.done @!p0 $0x0  }
0x94: {  	[sflag:s0] =	ssyncadd.s32 @!p0 s1  }
0x95: {  	[bflag:$0x3] =	sbarrier.arrive $0xFFFF  }
0x96: {  	_ =	shalt  }

</sc_bundles>
